<compile_context>
chip_gen: v7x
topology: tpu7x:2x2x1
jax: 0.10.2.dev20260603
libtpu: 0.0.44.dev20260713+nightly
codegen_flags: <defaults>
</compile_context>

<pallas_src>
import jax
import jax.numpy as jnp
from jax import lax
from jax.experimental import pallas as pl
from jax.experimental.pallas import tpu as pltpu
from jax.experimental.pallas import tpu_sc as plsc

N = 10000
D = 128
E = 320000
NC = 2
NS = 16
NW = NC * NS
EPT = E // NW
CH = 80
NCH = EPT // CH

_mesh = plsc.VectorSubcoreMesh(core_axis_name="c", subcore_axis_name="s")


NP = 10240


def _deg_body(i0, i1, i2, i3, i4, i5, ones_hbm, zeros_hbm, out, ivec, ones_v,
              sem_s, g0, g1, g2, g3, g4, g5):
    c = lax.axis_index("c")
    s = lax.axis_index("s")
    t = c * NS + s
    idxs = [i0, i1, i2, i3, i4, i5]
    degs = [g0, g1, g2, g3, g4, g5]

    @pl.when(s == 0)
    def _zero():
        for j in range(6):
            pltpu.sync_copy(zeros_hbm, degs[j])

    pltpu.sync_copy(ones_hbm, ones_v)
    plsc.subcore_barrier()

    for j in range(6):
        pltpu.sync_copy(idxs[j].at[t], ivec)

        def _scat(i, _):
            pltpu.async_copy(ones_v, degs[j].at[ivec.at[i]], sem_s, add=True)
            return 0

        lax.fori_loop(0, NCH, _scat, 0)

        def _drain(i, _):
            pltpu.make_async_copy(ones_v, degs[j].at[ivec.at[i]],
                                  sem_s).wait()
            return 0

        lax.fori_loop(0, NCH, _drain, 0)

    plsc.subcore_barrier()

    @pl.when(s < 10)
    def _writeout():
        for j in range(6):
            pltpu.sync_copy(degs[j].at[pl.ds(s * 1024, 1024)],
                            out.at[c, j, 0, pl.ds(s * 1024, 1024)])


@jax.jit
def _sc_degrees(i0, i1, i2, i3, i4, i5, ones, zeros):
    return pl.kernel(
        _deg_body,
        out_type=jax.ShapeDtypeStruct((NC, 6, 1, NP), jnp.float32),
        mesh=_mesh,
        scratch_types=[
            pltpu.VMEM((NCH, CH), jnp.int32),
            pltpu.VMEM((CH,), jnp.float32),
            pltpu.SemaphoreType.DMA,
        ] + [pltpu.VMEM_SHARED((NP,), jnp.float32) for _ in range(6)],
    )(i0, i1, i2, i3, i4, i5, ones, zeros)


def _agg_body(h0, h1, h2, s0, dd0, s1, dd1, s2, dd2, out,
              sidx, didx, rows_a, agg):
    c = lax.axis_index("c")
    s = lax.axis_index("s")
    t = c * NS + s
    hs = [h0, h1, h2]
    srcs = [s0, s1, s2]
    dsts = [dd0, dd1, dd2]
    z16 = jnp.zeros((16,), jnp.float32)

    for r in range(3):
        h = hs[r]

        def _zb(i, _):
            rows_a[i // 8, pl.ds((i % 8) * 16, 16)] = z16
            return 0

        lax.fori_loop(0, CH * 8, _zb, 0, unroll=8)

        @pl.when(s < 10)
        def _zacc():
            def _zrow(z, _):
                pltpu.sync_copy(rows_a, agg.at[pl.ds(s * 1000 + z * CH, CH)])
                return 0

            lax.fori_loop(0, 12, _zrow, 0)
            pltpu.sync_copy(rows_a.at[pl.ds(0, 40)],
                            agg.at[pl.ds(s * 1000 + 960, 40)])

        pltpu.sync_copy(srcs[r].at[t], sidx)
        pltpu.sync_copy(dsts[r].at[t], didx)
        plsc.subcore_barrier()

        def _chunk(i, _):
            pltpu.sync_copy(h.at[sidx.at[i]], rows_a)
            pltpu.sync_copy(rows_a, agg.at[didx.at[i]], add=True)
            return 0

        lax.fori_loop(0, NCH, _chunk, 0)

        plsc.subcore_barrier()

        @pl.when(s < 10)
        def _writeout():
            pltpu.sync_copy(agg.at[pl.ds(s * 1000, 1000)],
                            out.at[r, c, pl.ds(s * 1000, 1000)])

        plsc.subcore_barrier()


@jax.jit
def _sc_aggregate(h0, h1, h2, s0, d0, s1, d1, s2, d2):
    return pl.kernel(
        _agg_body,
        out_type=jax.ShapeDtypeStruct((3, NC, N, D), jnp.float32),
        mesh=_mesh,
        scratch_types=[
            pltpu.VMEM((NCH, CH), jnp.int32),
            pltpu.VMEM((NCH, CH), jnp.int32),
            pltpu.VMEM((CH, D), jnp.float32),
            pltpu.VMEM_SHARED((N, D), jnp.float32),
        ],
    )(h0, h1, h2, s0, d0, s1, d1, s2, d2)


def _h_body(x_ref, deg_ref, h0_ref, h1_ref, h2_ref):
    xb = x_ref[...]
    hrefs = [h0_ref, h1_ref, h2_ref]
    for r in range(3):
        dsrc = deg_ref[:, 2 * r] + deg_ref[:, 6 + 2 * r]
        norm = jnp.where(dsrc > 0.0, lax.rsqrt(jnp.maximum(dsrc, 1e-12)), 0.0)
        hrefs[r][...] = xb * norm[:, None]


@jax.jit
def _tc_scale(x, deg_t):
    br = 2000
    return pl.pallas_call(
        _h_body,
        grid=(N // br,),
        in_specs=[
            pl.BlockSpec((br, D), lambda i: (i, 0)),
            pl.BlockSpec((br, 12), lambda i: (i, 0)),
        ],
        out_specs=[pl.BlockSpec((br, D), lambda i: (i, 0))] * 3,
        out_shape=[jax.ShapeDtypeStruct((N, D), jnp.float32)] * 3,
    )(x, deg_t)


def _comb_body(p_ref, deg_ref, wc_ref, bm_ref, o_ref):
    cols = []
    for r in range(3):
        din = deg_ref[:, 2 * r + 1] + deg_ref[:, 7 + 2 * r]
        norm = jnp.where(din > 0.0, lax.rsqrt(jnp.maximum(din, 1e-12)), 0.0)
        agg = p_ref[r, 0] + p_ref[r, 1]
        cols.append(agg * norm[:, None])
    a = jnp.concatenate(cols, axis=1)
    o_ref[...] = jnp.dot(a, wc_ref[...],
                         preferred_element_type=jnp.float32) + bm_ref[...]


@jax.jit
def _tc_combine(partials, deg_t, wc, bm):
    br = 1000
    return pl.pallas_call(
        _comb_body,
        grid=(N // br,),
        in_specs=[
            pl.BlockSpec((3, NC, br, D), lambda i: (0, 0, i, 0)),
            pl.BlockSpec((br, 12), lambda i: (i, 0)),
            pl.BlockSpec((3 * D, D), lambda i: (0, 0)),
            pl.BlockSpec((1, D), lambda i: (0, 0)),
        ],
        out_specs=pl.BlockSpec((br, D), lambda i: (i, 0)),
        out_shape=jax.ShapeDtypeStruct((N, D), jnp.float32),
    )(partials, deg_t, wc, bm)


def kernel(x, edge_index_r0, edge_index_r1, edge_index_r2,
           W_r0, b_r0, W_r1, b_r1, W_r2, b_r2):
    e0 = edge_index_r0.astype(jnp.int32)
    e1 = edge_index_r1.astype(jnp.int32)
    e2 = edge_index_r2.astype(jnp.int32)
    chunk = lambda v: v.reshape(NW, NCH, CH)
    s0, d0 = chunk(e0[0]), chunk(e0[1])
    s1, d1 = chunk(e1[0]), chunk(e1[1])
    s2, d2 = chunk(e2[0]), chunk(e2[1])

    ones_c = jnp.ones((CH,), jnp.float32)
    zeros_p = jnp.zeros((NP,), jnp.float32)
    deg = _sc_degrees(s0, d0, s1, d1, s2, d2, ones_c, zeros_p)
    deg = deg.reshape(NC, 6, NP)[:, :, :N]
    deg_t = jnp.concatenate([deg[0].T, deg[1].T], axis=1)

    h0, h1, h2 = _tc_scale(x, deg_t)
    partials = _sc_aggregate(h0, h1, h2, s0, d0, s1, d1, s2, d2)

    wc = jnp.concatenate([W_r0, W_r1, W_r2], axis=0) * (1.0 / 3.0)
    bm = ((b_r0 + b_r1 + b_r2) * (1.0 / 3.0)).reshape(1, D)
    return _tc_combine(partials, deg_t, wc, bm)

# --- scband reference (transcript-rebuilt; emitter-appended) ---
"""Pipeline reference for scband-het-graph-layer-8160437862809 (READ-ONLY COPY).

The authoritative reference and input builder live on the scoring server;
editing this copy changes nothing except your own understanding.
"""

import jax, jax.numpy as jnp
import numpy as np

N_NODES = 10000
D = 128
N_EDGES = 320000


def setup_inputs(seed: int = 0) -> dict:
    key = jax.random.key(seed)
    ks = jax.random.split(key, 12)
    x = jax.random.normal(ks[0], (N_NODES, D), dtype=jnp.float32)
    edge_index_r0 = jax.random.randint(ks[1], (2, N_EDGES), 0, N_NODES, dtype=jnp.int64 if jax.config.jax_enable_x64 else jnp.int32)
    edge_index_r1 = jax.random.randint(ks[2], (2, N_EDGES), 0, N_NODES, dtype=jnp.int64 if jax.config.jax_enable_x64 else jnp.int32)
    edge_index_r2 = jax.random.randint(ks[3], (2, N_EDGES), 0, N_NODES, dtype=jnp.int64 if jax.config.jax_enable_x64 else jnp.int32)
    scale = 1.0 / np.sqrt(D)
    W_r0 = jax.random.uniform(ks[4], (D, D), jnp.float32, -scale, scale)
    b_r0 = jnp.zeros((D,), jnp.float32)
    W_r1 = jax.random.uniform(ks[5], (D, D), jnp.float32, -scale, scale)
    b_r1 = jnp.zeros((D,), jnp.float32)
    W_r2 = jax.random.uniform(ks[6], (D, D), jnp.float32, -scale, scale)
    b_r2 = jnp.zeros((D,), jnp.float32)
    return {"x": x, "edge_index_r0": edge_index_r0, "edge_index_r1": edge_index_r1,
            "edge_index_r2": edge_index_r2, "W_r0": W_r0, "b_r0": b_r0,
            "W_r1": W_r1, "b_r1": b_r1, "W_r2": W_r2, "b_r2": b_r2}


def _gcn_conv(x, edge_index, W, b):
    # DGL GraphConv(norm='both'), in_feats == out_feats -> aggregate first, then linear
    src = edge_index[0]
    dst = edge_index[1]
    n = x.shape[0]
    ones = jnp.ones((edge_index.shape[1],), jnp.float32)
    out_deg = jnp.zeros((n,), jnp.float32).at[src].add(ones)
    norm_src = jnp.where(out_deg > 0, jax.lax.rsqrt(jnp.maximum(out_deg, 1e-12)), 0.0)
    h = x * norm_src[:, None]
    agg = jnp.zeros_like(x).at[dst].add(jnp.take(h, src, axis=0))
    in_deg = jnp.zeros((n,), jnp.float32).at[dst].add(ones)
    norm_dst = jnp.where(in_deg > 0, jax.lax.rsqrt(jnp.maximum(in_deg, 1e-12)), 0.0)
    agg = agg * norm_dst[:, None]
    return agg @ W + b


def reference(x, edge_index_r0, edge_index_r1, edge_index_r2,
              W_r0, b_r0, W_r1, b_r1, W_r2, b_r2):
    out0 = _gcn_conv(x, edge_index_r0, W_r0, b_r0)
    out1 = _gcn_conv(x, edge_index_r1, W_r1, b_r1)
    out2 = _gcn_conv(x, edge_index_r2, W_r2, b_r2)
    rel_embs = jnp.stack([out0, out1, out2], axis=0)
    # ChannelCombine with het_combine='mean': mean over relation channels
    res = jnp.mean(rel_embs, axis=0)
    return res

if __name__ == "__main__":
    import jax
    _d = setup_inputs()
    print(jax.jit(kernel)(*tuple(_d.values())))

</pallas_src>

<mosaic_0001>
#map = affine_map<(d0, d1) -> (0, 0, 0)>
#map1 = affine_map<(d0, d1) -> (0)>
#map2 = affine_map<(d0, d1) -> (0, 0, 0, 0)>
module attributes {stable_mosaic.version = 14 : i64} {
  func.func @_deg_body(%arg0: i32, %arg1: i32, %arg2: memref<32x125x80xi32, #tpu.memory_space<hbm>>, %arg3: memref<32x125x80xi32, #tpu.memory_space<hbm>>, %arg4: memref<32x125x80xi32, #tpu.memory_space<hbm>>, %arg5: memref<32x125x80xi32, #tpu.memory_space<hbm>>, %arg6: memref<32x125x80xi32, #tpu.memory_space<hbm>>, %arg7: memref<32x125x80xi32, #tpu.memory_space<hbm>>, %arg8: memref<80xf32, #tpu.memory_space<hbm>>, %arg9: memref<10240xf32, #tpu.memory_space<hbm>>, %arg10: memref<2x6x1x10240xf32, #tpu.memory_space<hbm>>, %arg11: memref<125x80xi32, #tpu.memory_space<vmem>>, %arg12: memref<80xf32, #tpu.memory_space<vmem>>, %arg13: memref<!tpu.dma_semaphore, #tpu.memory_space<semaphore_mem>>, %arg14: memref<10240xf32, #tpu.memory_space<vmem_shared>>, %arg15: memref<10240xf32, #tpu.memory_space<vmem_shared>>, %arg16: memref<10240xf32, #tpu.memory_space<vmem_shared>>, %arg17: memref<10240xf32, #tpu.memory_space<vmem_shared>>, %arg18: memref<10240xf32, #tpu.memory_space<vmem_shared>>, %arg19: memref<10240xf32, #tpu.memory_space<vmem_shared>>) attributes {dimension_semantics = [#tpu.dimension_semantics<core_parallel>, #tpu.dimension_semantics<subcore_parallel>], iteration_bounds = array<i64: 2, 16>, scalar_prefetch = 0 : i64, scratch_operands = 9 : i64, tpu.core_type = #tpu.core_type<sc_vector_subcore>, window_params = [{transform_indices = #map}, {transform_indices = #map}, {transform_indices = #map}, {transform_indices = #map}, {transform_indices = #map}, {transform_indices = #map}, {transform_indices = #map1}, {transform_indices = #map1}, {transform_indices = #map2}]} {
    %mul3A = arith.constant 16 : i32
    %mul3A_0 = arith.muli %arg0, %mul3A : i32
    %add3A = arith.addi %mul3A_0, %arg1 : i32
    %eq3A = arith.constant 0 : i32
    %eq3A_1 = arith.cmpi eq, %arg1, %eq3A : i32
    %convert_element_type3A = arith.extui %eq3A_1 : i1 to i32
    %cond3A = arith.constant 0 : i32
    %cond3A_2 = arith.cmpi ne, %convert_element_type3A, %cond3A : i32
    scf.if %cond3A_2 {
      "tpu.region"() ({
        %run_scoped3A = tpu.sem_alloc : memref<!tpu.dma_semaphore, #tpu.memory_space<semaphore_mem>>
        tpu.enqueue_dma source(%arg9 : memref<10240xf32, #tpu.memory_space<hbm>>) target(%arg14 : memref<10240xf32, #tpu.memory_space<vmem_shared>>) target_semaphore(%run_scoped3A : memref<!tpu.dma_semaphore, #tpu.memory_space<semaphore_mem>>)
        tpu.wait_dma2 semaphore(%run_scoped3A : memref<!tpu.dma_semaphore, #tpu.memory_space<semaphore_mem>>) src(%arg9 : memref<10240xf32, #tpu.memory_space<hbm>>) dst(%arg14 : memref<10240xf32, #tpu.memory_space<vmem_shared>>)
        tpu.yield
      }) : () -> ()
      "tpu.region"() ({
        %run_scoped3A = tpu.sem_alloc : memref<!tpu.dma_semaphore, #tpu.memory_space<semaphore_mem>>
        tpu.enqueue_dma source(%arg9 : memref<10240xf32, #tpu.memory_space<hbm>>) target(%arg15 : memref<10240xf32, #tpu.memory_space<vmem_shared>>) target_semaphore(%run_scoped3A : memref<!tpu.dma_semaphore, #tpu.memory_space<semaphore_mem>>)
        tpu.wait_dma2 semaphore(%run_scoped3A : memref<!tpu.dma_semaphore, #tpu.memory_space<semaphore_mem>>) src(%arg9 : memref<10240xf32, #tpu.memory_space<hbm>>) dst(%arg15 : memref<10240xf32, #tpu.memory_space<vmem_shared>>)
        tpu.yield
      }) : () -> ()
      "tpu.region"() ({
        %run_scoped3A = tpu.sem_alloc : memref<!tpu.dma_semaphore, #tpu.memory_space<semaphore_mem>>
        tpu.enqueue_dma source(%arg9 : memref<10240xf32, #tpu.memory_space<hbm>>) target(%arg16 : memref<10240xf32, #tpu.memory_space<vmem_shared>>) target_semaphore(%run_scoped3A : memref<!tpu.dma_semaphore, #tpu.memory_space<semaphore_mem>>)
        tpu.wait_dma2 semaphore(%run_scoped3A : memref<!tpu.dma_semaphore, #tpu.memory_space<semaphore_mem>>) src(%arg9 : memref<10240xf32, #tpu.memory_space<hbm>>) dst(%arg16 : memref<10240xf32, #tpu.memory_space<vmem_shared>>)
        tpu.yield
      }) : () -> ()
      "tpu.region"() ({
        %run_scoped3A = tpu.sem_alloc : memref<!tpu.dma_semaphore, #tpu.memory_space<semaphore_mem>>
        tpu.enqueue_dma source(%arg9 : memref<10240xf32, #tpu.memory_space<hbm>>) target(%arg17 : memref<10240xf32, #tpu.memory_space<vmem_shared>>) target_semaphore(%run_scoped3A : memref<!tpu.dma_semaphore, #tpu.memory_space<semaphore_mem>>)
        tpu.wait_dma2 semaphore(%run_scoped3A : memref<!tpu.dma_semaphore, #tpu.memory_space<semaphore_mem>>) src(%arg9 : memref<10240xf32, #tpu.memory_space<hbm>>) dst(%arg17 : memref<10240xf32, #tpu.memory_space<vmem_shared>>)
        tpu.yield
      }) : () -> ()
      "tpu.region"() ({
        %run_scoped3A = tpu.sem_alloc : memref<!tpu.dma_semaphore, #tpu.memory_space<semaphore_mem>>
        tpu.enqueue_dma source(%arg9 : memref<10240xf32, #tpu.memory_space<hbm>>) target(%arg18 : memref<10240xf32, #tpu.memory_space<vmem_shared>>) target_semaphore(%run_scoped3A : memref<!tpu.dma_semaphore, #tpu.memory_space<semaphore_mem>>)
        tpu.wait_dma2 semaphore(%run_scoped3A : memref<!tpu.dma_semaphore, #tpu.memory_space<semaphore_mem>>) src(%arg9 : memref<10240xf32, #tpu.memory_space<hbm>>) dst(%arg18 : memref<10240xf32, #tpu.memory_space<vmem_shared>>)
        tpu.yield
      }) : () -> ()
      "tpu.region"() ({
        %run_scoped3A = tpu.sem_alloc : memref<!tpu.dma_semaphore, #tpu.memory_space<semaphore_mem>>
        tpu.enqueue_dma source(%arg9 : memref<10240xf32, #tpu.memory_space<hbm>>) target(%arg19 : memref<10240xf32, #tpu.memory_space<vmem_shared>>) target_semaphore(%run_scoped3A : memref<!tpu.dma_semaphore, #tpu.memory_space<semaphore_mem>>)
        tpu.wait_dma2 semaphore(%run_scoped3A : memref<!tpu.dma_semaphore, #tpu.memory_space<semaphore_mem>>) src(%arg9 : memref<10240xf32, #tpu.memory_space<hbm>>) dst(%arg19 : memref<10240xf32, #tpu.memory_space<vmem_shared>>)
        tpu.yield
      }) : () -> ()
    } else {
    }
    "tpu.region"() ({
      %run_scoped3A = tpu.sem_alloc : memref<!tpu.dma_semaphore, #tpu.memory_space<semaphore_mem>>
      tpu.enqueue_dma source(%arg8 : memref<80xf32, #tpu.memory_space<hbm>>) target(%arg12 : memref<80xf32, #tpu.memory_space<vmem>>) target_semaphore(%run_scoped3A : memref<!tpu.dma_semaphore, #tpu.memory_space<semaphore_mem>>)
      tpu.wait_dma2 semaphore(%run_scoped3A : memref<!tpu.dma_semaphore, #tpu.memory_space<semaphore_mem>>) src(%arg8 : memref<80xf32, #tpu.memory_space<hbm>>) dst(%arg12 : memref<80xf32, #tpu.memory_space<vmem>>)
      tpu.yield
    }) : () -> ()
    %barrier3A = arith.constant 0 : index
    tpu.barrier barrier_id(%barrier3A)
    "tpu.region"() ({
      %run_scoped3A = tpu.sem_alloc : memref<!tpu.dma_semaphore, #tpu.memory_space<semaphore_mem>>
      %dma_start3A = arith.constant 0 : i32
      %dma_start3A_91 = arith.constant 0 : i32
      %dma_start3A_92 = tpu.memref_slice %arg2[%add3A, %dma_start3A, %dma_start3A_91] : memref<32x125x80xi32, #tpu.memory_space<hbm>> -> memref<1x125x80xi32, #tpu.memory_space<hbm>>
      %dma_start3A_93 = tpu.memref_squeeze %dma_start3A_92 : memref<1x125x80xi32, #tpu.memory_space<hbm>> -> memref<125x80xi32, #tpu.memory_space<hbm>>
      %dma_start3A_94 = arith.constant 0 : i32
      %dma_start3A_95 = arith.constant 0 : i32
      %dma_start3A_96 = tpu.memref_slice %arg2[%add3A, %dma_start3A_94, %dma_start3A_95] : memref<32x125x80xi32, #tpu.memory_space<hbm>> -> memref<1x125x80xi32, #tpu.memory_space<hbm>>
      %dma_start3A_97 = tpu.memref_squeeze %dma_start3A_96 : memref<1x125x80xi32, #tpu.memory_space<hbm>> -> memref<125x80xi32, #tpu.memory_space<hbm>>
      tpu.enqueue_dma source(%dma_start3A_97 : memref<125x80xi32, #tpu.memory_space<hbm>>) target(%arg11 : memref<125x80xi32, #tpu.memory_space<vmem>>) target_semaphore(%run_scoped3A : memref<!tpu.dma_semaphore, #tpu.memory_space<semaphore_mem>>)
      %dma_wait3A = arith.constant 0 : i32
      %dma_wait3A_98 = arith.constant 0 : i32
      %dma_wait3A_99 = tpu.memref_slice %arg2[%add3A, %dma_wait3A, %dma_wait3A_98] : memref<32x125x80xi32, #tpu.memory_space<hbm>> -> memref<1x125x80xi32, #tpu.memory_space<hbm>>
      %dma_wait3A_100 = tpu.memref_squeeze %dma_wait3A_99 : memref<1x125x80xi32, #tpu.memory_space<hbm>> -> memref<125x80xi32, #tpu.memory_space<hbm>>
      %dma_wait3A_101 = arith.constant 0 : i32
      %dma_wait3A_102 = arith.constant 0 : i32
      %dma_wait3A_103 = tpu.memref_slice %arg2[%add3A, %dma_wait3A_101, %dma_wait3A_102] : memref<32x125x80xi32, #tpu.memory_space<hbm>> -> memref<1x125x80xi32, #tpu.memory_space<hbm>>
      %dma_wait3A_104 = tpu.memref_squeeze %dma_wait3A_103 : memref<1x125x80xi32, #tpu.memory_space<hbm>> -> memref<125x80xi32, #tpu.memory_space<hbm>>
      tpu.wait_dma2 semaphore(%run_scoped3A : memref<!tpu.dma_semaphore, #tpu.memory_space<semaphore_mem>>) src(%dma_wait3A_104 : memref<125x80xi32, #tpu.memory_space<hbm>>) dst(%arg11 : memref<125x80xi32, #tpu.memory_space<vmem>>)
      tpu.yield
    }) : () -> ()
    %scan3A = arith.constant 0 : i32
    %scan3A_3 = arith.constant 0 : i32
    %scan3A_4 = arith.constant 125 : i32
    %scan3A_5 = arith.addi %scan3A_3, %scan3A_4 : i32
    %scan3A_6 = arith.constant 1 : i32
    %scan3A_7 = scf.for %scan3A_91 = %scan3A_3 to %scan3A_5 step %scan3A_6 iter_args(%scan3A_92 = %scan3A) -> (i32)  : i32 {
      %dma_start3A = arith.constant 0 : i32
      %dma_start3A_93 = tpu.memref_slice %arg11[%scan3A_91, %dma_start3A] : memref<125x80xi32, #tpu.memory_space<vmem>> -> memref<1x80xi32, #tpu.memory_space<vmem>>
      %dma_start3A_94 = tpu.memref_squeeze %dma_start3A_93 : memref<1x80xi32, #tpu.memory_space<vmem>> -> memref<80xi32, #tpu.memory_space<vmem>>
      %dma_start3A_95 = arith.constant 0 : i32
      %dma_start3A_96 = tpu.memref_slice %arg14[%dma_start3A_95] : memref<10240xf32, #tpu.memory_space<vmem_shared>> -> memref<10240xf32, #tpu.memory_space<vmem_shared>>
      tpu.enqueue_indirect_dma source(%arg12 : memref<80xf32, #tpu.memory_space<vmem>>) target(%dma_start3A_96 : memref<10240xf32, #tpu.memory_space<vmem_shared>>) offsets(%dma_start3A_94 : memref<80xi32, #tpu.memory_space<vmem>>) semaphore(%arg13 : memref<!tpu.dma_semaphore, #tpu.memory_space<semaphore_mem>>) {add = true}
      %scan3A_97 = arith.constant 0 : i32
      scf.yield %scan3A_97 : i32
    }
    %scan3A_8 = arith.constant 125 : i32
    %scan3A_9 = arith.constant 0 : i32
    %scan3A_10 = arith.constant 0 : i32
    %scan3A_11 = arith.constant 125 : i32
    %scan3A_12 = arith.addi %scan3A_10, %scan3A_11 : i32
    %scan3A_13 = arith.constant 1 : i32
    %scan3A_14 = scf.for %scan3A_91 = %scan3A_10 to %scan3A_12 step %scan3A_13 iter_args(%scan3A_92 = %scan3A_9) -> (i32)  : i32 {
      %dma_wait3A = arith.constant 0 : i32
      %dma_wait3A_93 = tpu.memref_slice %arg11[%scan3A_91, %dma_wait3A] : memref<125x80xi32, #tpu.memory_space<vmem>> -> memref<1x80xi32, #tpu.memory_space<vmem>>
      %dma_wait3A_94 = tpu.memref_squeeze %dma_wait3A_93 : memref<1x80xi32, #tpu.memory_space<vmem>> -> memref<80xi32, #tpu.memory_space<vmem>>
      %dma_wait3A_95 = arith.constant 0 : i32
      %dma_wait3A_96 = tpu.memref_slice %arg14[%dma_wait3A_95] : memref<10240xf32, #tpu.memory_space<vmem_shared>> -> memref<10240xf32, #tpu.memory_space<vmem_shared>>
      tpu.wait_indirect_dma semaphore(%arg13 : memref<!tpu.dma_semaphore, #tpu.memory_space<semaphore_mem>>) src(%arg12 : memref<80xf32, #tpu.memory_space<vmem>>) dst(%dma_wait3A_96 : memref<10240xf32, #tpu.memory_space<vmem_shared>>)
      %scan3A_97 = arith.constant 0 : i32
      scf.yield %scan3A_97 : i32
    }
    %scan3A_15 = arith.constant 125 : i32
    "tpu.region"() ({
      %run_scoped3A = tpu.sem_alloc : memref<!tpu.dma_semaphore, #tpu.memory_space<semaphore_mem>>
      %dma_start3A = arith.constant 0 : i32
      %dma_start3A_91 = arith.constant 0 : i32
      %dma_start3A_92 = tpu.memref_slice %arg3[%add3A, %dma_start3A, %dma_start3A_91] : memref<32x125x80xi32, #tpu.memory_space<hbm>> -> memref<1x125x80xi32, #tpu.memory_space<hbm>>
      %dma_start3A_93 = tpu.memref_squeeze %dma_start3A_92 : memref<1x125x80xi32, #tpu.memory_space<hbm>> -> memref<125x80xi32, #tpu.memory_space<hbm>>
      %dma_start3A_94 = arith.constant 0 : i32
      %dma_start3A_95 = arith.constant 0 : i32
      %dma_start3A_96 = tpu.memref_slice %arg3[%add3A, %dma_start3A_94, %dma_start3A_95] : memref<32x125x80xi32, #tpu.memory_space<hbm>> -> memref<1x125x80xi32, #tpu.memory_space<hbm>>
      %dma_start3A_97 = tpu.memref_squeeze %dma_start3A_96 : memref<1x125x80xi32, #tpu.memory_space<hbm>> -> memref<125x80xi32, #tpu.memory_space<hbm>>
      tpu.enqueue_dma source(%dma_start3A_97 : memref<125x80xi32, #tpu.memory_space<hbm>>) target(%arg11 : memref<125x80xi32, #tpu.memory_space<vmem>>) target_semaphore(%run_scoped3A : memref<!tpu.dma_semaphore, #tpu.memory_space<semaphore_mem>>)
      %dma_wait3A = arith.constant 0 : i32
      %dma_wait3A_98 = arith.constant 0 : i32
      %dma_wait3A_99 = tpu.memref_slice %arg3[%add3A, %dma_wait3A, %dma_wait3A_98] : memref<32x125x80xi32, #tpu.memory_space<hbm>> -> memref<1x125x80xi32, #tpu.memory_space<hbm>>
      %dma_wait3A_100 = tpu.memref_squeeze %dma_wait3A_99 : memref<1x125x80xi32, #tpu.memory_space<hbm>> -> memref<125x80xi32, #tpu.memory_space<hbm>>
      %dma_wait3A_101 = arith.constant 0 : i32
      %dma_wait3A_102 = arith.constant 0 : i32
      %dma_wait3A_103 = tpu.memref_slice %arg3[%add3A, %dma_wait3A_101, %dma_wait3A_102] : memref<32x125x80xi32, #tpu.memory_space<hbm>> -> memref<1x125x80xi32, #tpu.memory_space<hbm>>
      %dma_wait3A_104 = tpu.memref_squeeze %dma_wait3A_103 : memref<1x125x80xi32, #tpu.memory_space<hbm>> -> memref<125x80xi32, #tpu.memory_space<hbm>>
      tpu.wait_dma2 semaphore(%run_scoped3A : memref<!tpu.dma_semaphore, #tpu.memory_space<semaphore_mem>>) src(%dma_wait3A_104 : memref<125x80xi32, #tpu.memory_space<hbm>>) dst(%arg11 : memref<125x80xi32, #tpu.memory_space<vmem>>)
      tpu.yield
    }) : () -> ()
    %scan3A_16 = arith.constant 0 : i32
    %scan3A_17 = arith.constant 0 : i32
    %scan3A_18 = arith.constant 125 : i32
    %scan3A_19 = arith.addi %scan3A_17, %scan3A_18 : i32
    %scan3A_20 = arith.constant 1 : i32
    %scan3A_21 = scf.for %scan3A_91 = %scan3A_17 to %scan3A_19 step %scan3A_20 iter_args(%scan3A_92 = %scan3A_16) -> (i32)  : i32 {
      %dma_start3A = arith.constant 0 : i32
      %dma_start3A_93 = tpu.memref_slice %arg11[%scan3A_91, %dma_start3A] : memref<125x80xi32, #tpu.memory_space<vmem>> -> memref<1x80xi32, #tpu.memory_space<vmem>>
      %dma_start3A_94 = tpu.memref_squeeze %dma_start3A_93 : memref<1x80xi32, #tpu.memory_space<vmem>> -> memref<80xi32, #tpu.memory_space<vmem>>
      %dma_start3A_95 = arith.constant 0 : i32
      %dma_start3A_96 = tpu.memref_slice %arg15[%dma_start3A_95] : memref<10240xf32, #tpu.memory_space<vmem_shared>> -> memref<10240xf32, #tpu.memory_space<vmem_shared>>
      tpu.enqueue_indirect_dma source(%arg12 : memref<80xf32, #tpu.memory_space<vmem>>) target(%dma_start3A_96 : memref<10240xf32, #tpu.memory_space<vmem_shared>>) offsets(%dma_start3A_94 : memref<80xi32, #tpu.memory_space<vmem>>) semaphore(%arg13 : memref<!tpu.dma_semaphore, #tpu.memory_space<semaphore_mem>>) {add = true}
      %scan3A_97 = arith.constant 0 : i32
      scf.yield %scan3A_97 : i32
    }
    %scan3A_22 = arith.constant 125 : i32
    %scan3A_23 = arith.constant 0 : i32
    %scan3A_24 = arith.constant 0 : i32
    %scan3A_25 = arith.constant 125 : i32
    %scan3A_26 = arith.addi %scan3A_24, %scan3A_25 : i32
    %scan3A_27 = arith.constant 1 : i32
    %scan3A_28 = scf.for %scan3A_91 = %scan3A_24 to %scan3A_26 step %scan3A_27 iter_args(%scan3A_92 = %scan3A_23) -> (i32)  : i32 {
      %dma_wait3A = arith.constant 0 : i32
      %dma_wait3A_93 = tpu.memref_slice %arg11[%scan3A_91, %dma_wait3A] : memref<125x80xi32, #tpu.memory_space<vmem>> -> memref<1x80xi32, #tpu.memory_space<vmem>>
      %dma_wait3A_94 = tpu.memref_squeeze %dma_wait3A_93 : memref<1x80xi32, #tpu.memory_space<vmem>> -> memref<80xi32, #tpu.memory_space<vmem>>
      %dma_wait3A_95 = arith.constant 0 : i32
      %dma_wait3A_96 = tpu.memref_slice %arg15[%dma_wait3A_95] : memref<10240xf32, #tpu.memory_space<vmem_shared>> -> memref<10240xf32, #tpu.memory_space<vmem_shared>>
      tpu.wait_indirect_dma semaphore(%arg13 : memref<!tpu.dma_semaphore, #tpu.memory_space<semaphore_mem>>) src(%arg12 : memref<80xf32, #tpu.memory_space<vmem>>) dst(%dma_wait3A_96 : memref<10240xf32, #tpu.memory_space<vmem_shared>>)
      %scan3A_97 = arith.constant 0 : i32
      scf.yield %scan3A_97 : i32
    }
    %scan3A_29 = arith.constant 125 : i32
    "tpu.region"() ({
      %run_scoped3A = tpu.sem_alloc : memref<!tpu.dma_semaphore, #tpu.memory_space<semaphore_mem>>
      %dma_start3A = arith.constant 0 : i32
      %dma_start3A_91 = arith.constant 0 : i32
      %dma_start3A_92 = tpu.memref_slice %arg4[%add3A, %dma_start3A, %dma_start3A_91] : memref<32x125x80xi32, #tpu.memory_space<hbm>> -> memref<1x125x80xi32, #tpu.memory_space<hbm>>
      %dma_start3A_93 = tpu.memref_squeeze %dma_start3A_92 : memref<1x125x80xi32, #tpu.memory_space<hbm>> -> memref<125x80xi32, #tpu.memory_space<hbm>>
      %dma_start3A_94 = arith.constant 0 : i32
      %dma_start3A_95 = arith.constant 0 : i32
      %dma_start3A_96 = tpu.memref_slice %arg4[%add3A, %dma_start3A_94, %dma_start3A_95] : memref<32x125x80xi32, #tpu.memory_space<hbm>> -> memref<1x125x80xi32, #tpu.memory_space<hbm>>
      %dma_start3A_97 = tpu.memref_squeeze %dma_start3A_96 : memref<1x125x80xi32, #tpu.memory_space<hbm>> -> memref<125x80xi32, #tpu.memory_space<hbm>>
      tpu.enqueue_dma source(%dma_start3A_97 : memref<125x80xi32, #tpu.memory_space<hbm>>) target(%arg11 : memref<125x80xi32, #tpu.memory_space<vmem>>) target_semaphore(%run_scoped3A : memref<!tpu.dma_semaphore, #tpu.memory_space<semaphore_mem>>)
      %dma_wait3A = arith.constant 0 : i32
      %dma_wait3A_98 = arith.constant 0 : i32
      %dma_wait3A_99 = tpu.memref_slice %arg4[%add3A, %dma_wait3A, %dma_wait3A_98] : memref<32x125x80xi32, #tpu.memory_space<hbm>> -> memref<1x125x80xi32, #tpu.memory_space<hbm>>
      %dma_wait3A_100 = tpu.memref_squeeze %dma_wait3A_99 : memref<1x125x80xi32, #tpu.memory_space<hbm>> -> memref<125x80xi32, #tpu.memory_space<hbm>>
      %dma_wait3A_101 = arith.constant 0 : i32
      %dma_wait3A_102 = arith.constant 0 : i32
      %dma_wait3A_103 = tpu.memref_slice %arg4[%add3A, %dma_wait3A_101, %dma_wait3A_102] : memref<32x125x80xi32, #tpu.memory_space<hbm>> -> memref<1x125x80xi32, #tpu.memory_space<hbm>>
      %dma_wait3A_104 = tpu.memref_squeeze %dma_wait3A_103 : memref<1x125x80xi32, #tpu.memory_space<hbm>> -> memref<125x80xi32, #tpu.memory_space<hbm>>
      tpu.wait_dma2 semaphore(%run_scoped3A : memref<!tpu.dma_semaphore, #tpu.memory_space<semaphore_mem>>) src(%dma_wait3A_104 : memref<125x80xi32, #tpu.memory_space<hbm>>) dst(%arg11 : memref<125x80xi32, #tpu.memory_space<vmem>>)
      tpu.yield
    }) : () -> ()
    %scan3A_30 = arith.constant 0 : i32
    %scan3A_31 = arith.constant 0 : i32
    %scan3A_32 = arith.constant 125 : i32
    %scan3A_33 = arith.addi %scan3A_31, %scan3A_32 : i32
    %scan3A_34 = arith.constant 1 : i32
    %scan3A_35 = scf.for %scan3A_91 = %scan3A_31 to %scan3A_33 step %scan3A_34 iter_args(%scan3A_92 = %scan3A_30) -> (i32)  : i32 {
      %dma_start3A = arith.constant 0 : i32
      %dma_start3A_93 = tpu.memref_slice %arg11[%scan3A_91, %dma_start3A] : memref<125x80xi32, #tpu.memory_space<vmem>> -> memref<1x80xi32, #tpu.memory_space<vmem>>
      %dma_start3A_94 = tpu.memref_squeeze %dma_start3A_93 : memref<1x80xi32, #tpu.memory_space<vmem>> -> memref<80xi32, #tpu.memory_space<vmem>>
      %dma_start3A_95 = arith.constant 0 : i32
      %dma_start3A_96 = tpu.memref_slice %arg16[%dma_start3A_95] : memref<10240xf32, #tpu.memory_space<vmem_shared>> -> memref<10240xf32, #tpu.memory_space<vmem_shared>>
      tpu.enqueue_indirect_dma source(%arg12 : memref<80xf32, #tpu.memory_space<vmem>>) target(%dma_start3A_96 : memref<10240xf32, #tpu.memory_space<vmem_shared>>) offsets(%dma_start3A_94 : memref<80xi32, #tpu.memory_space<vmem>>) semaphore(%arg13 : memref<!tpu.dma_semaphore, #tpu.memory_space<semaphore_mem>>) {add = true}
      %scan3A_97 = arith.constant 0 : i32
      scf.yield %scan3A_97 : i32
    }
    %scan3A_36 = arith.constant 125 : i32
    %scan3A_37 = arith.constant 0 : i32
    %scan3A_38 = arith.constant 0 : i32
    %scan3A_39 = arith.constant 125 : i32
    %scan3A_40 = arith.addi %scan3A_38, %scan3A_39 : i32
    %scan3A_41 = arith.constant 1 : i32
    %scan3A_42 = scf.for %scan3A_91 = %scan3A_38 to %scan3A_40 step %scan3A_41 iter_args(%scan3A_92 = %scan3A_37) -> (i32)  : i32 {
      %dma_wait3A = arith.constant 0 : i32
      %dma_wait3A_93 = tpu.memref_slice %arg11[%scan3A_91, %dma_wait3A] : memref<125x80xi32, #tpu.memory_space<vmem>> -> memref<1x80xi32, #tpu.memory_space<vmem>>
      %dma_wait3A_94 = tpu.memref_squeeze %dma_wait3A_93 : memref<1x80xi32, #tpu.memory_space<vmem>> -> memref<80xi32, #tpu.memory_space<vmem>>
      %dma_wait3A_95 = arith.constant 0 : i32
      %dma_wait3A_96 = tpu.memref_slice %arg16[%dma_wait3A_95] : memref<10240xf32, #tpu.memory_space<vmem_shared>> -> memref<10240xf32, #tpu.memory_space<vmem_shared>>
      tpu.wait_indirect_dma semaphore(%arg13 : memref<!tpu.dma_semaphore, #tpu.memory_space<semaphore_mem>>) src(%arg12 : memref<80xf32, #tpu.memory_space<vmem>>) dst(%dma_wait3A_96 : memref<10240xf32, #tpu.memory_space<vmem_shared>>)
      %scan3A_97 = arith.constant 0 : i32
      scf.yield %scan3A_97 : i32
    }
    %scan3A_43 = arith.constant 125 : i32
    "tpu.region"() ({
      %run_scoped3A = tpu.sem_alloc : memref<!tpu.dma_semaphore, #tpu.memory_space<semaphore_mem>>
      %dma_start3A = arith.constant 0 : i32
      %dma_start3A_91 = arith.constant 0 : i32
      %dma_start3A_92 = tpu.memref_slice %arg5[%add3A, %dma_start3A, %dma_start3A_91] : memref<32x125x80xi32, #tpu.memory_space<hbm>> -> memref<1x125x80xi32, #tpu.memory_space<hbm>>
      %dma_start3A_93 = tpu.memref_squeeze %dma_start3A_92 : memref<1x125x80xi32, #tpu.memory_space<hbm>> -> memref<125x80xi32, #tpu.memory_space<hbm>>
      %dma_start3A_94 = arith.constant 0 : i32
      %dma_start3A_95 = arith.constant 0 : i32
      %dma_start3A_96 = tpu.memref_slice %arg5[%add3A, %dma_start3A_94, %dma_start3A_95] : memref<32x125x80xi32, #tpu.memory_space<hbm>> -> memref<1x125x80xi32, #tpu.memory_space<hbm>>
      %dma_start3A_97 = tpu.memref_squeeze %dma_start3A_96 : memref<1x125x80xi32, #tpu.memory_space<hbm>> -> memref<125x80xi32, #tpu.memory_space<hbm>>
      tpu.enqueue_dma source(%dma_start3A_97 : memref<125x80xi32, #tpu.memory_space<hbm>>) target(%arg11 : memref<125x80xi32, #tpu.memory_space<vmem>>) target_semaphore(%run_scoped3A : memref<!tpu.dma_semaphore, #tpu.memory_space<semaphore_mem>>)
      %dma_wait3A = arith.constant 0 : i32
      %dma_wait3A_98 = arith.constant 0 : i32
      %dma_wait3A_99 = tpu.memref_slice %arg5[%add3A, %dma_wait3A, %dma_wait3A_98] : memref<32x125x80xi32, #tpu.memory_space<hbm>> -> memref<1x125x80xi32, #tpu.memory_space<hbm>>
      %dma_wait3A_100 = tpu.memref_squeeze %dma_wait3A_99 : memref<1x125x80xi32, #tpu.memory_space<hbm>> -> memref<125x80xi32, #tpu.memory_space<hbm>>
      %dma_wait3A_101 = arith.constant 0 : i32
      %dma_wait3A_102 = arith.constant 0 : i32
      %dma_wait3A_103 = tpu.memref_slice %arg5[%add3A, %dma_wait3A_101, %dma_wait3A_102] : memref<32x125x80xi32, #tpu.memory_space<hbm>> -> memref<1x125x80xi32, #tpu.memory_space<hbm>>
      %dma_wait3A_104 = tpu.memref_squeeze %dma_wait3A_103 : memref<1x125x80xi32, #tpu.memory_space<hbm>> -> memref<125x80xi32, #tpu.memory_space<hbm>>
      tpu.wait_dma2 semaphore(%run_scoped3A : memref<!tpu.dma_semaphore, #tpu.memory_space<semaphore_mem>>) src(%dma_wait3A_104 : memref<125x80xi32, #tpu.memory_space<hbm>>) dst(%arg11 : memref<125x80xi32, #tpu.memory_space<vmem>>)
      tpu.yield
    }) : () -> ()
    %scan3A_44 = arith.constant 0 : i32
    %scan3A_45 = arith.constant 0 : i32
    %scan3A_46 = arith.constant 125 : i32
    %scan3A_47 = arith.addi %scan3A_45, %scan3A_46 : i32
    %scan3A_48 = arith.constant 1 : i32
    %scan3A_49 = scf.for %scan3A_91 = %scan3A_45 to %scan3A_47 step %scan3A_48 iter_args(%scan3A_92 = %scan3A_44) -> (i32)  : i32 {
      %dma_start3A = arith.constant 0 : i32
      %dma_start3A_93 = tpu.memref_slice %arg11[%scan3A_91, %dma_start3A] : memref<125x80xi32, #tpu.memory_space<vmem>> -> memref<1x80xi32, #tpu.memory_space<vmem>>
      %dma_start3A_94 = tpu.memref_squeeze %dma_start3A_93 : memref<1x80xi32, #tpu.memory_space<vmem>> -> memref<80xi32, #tpu.memory_space<vmem>>
      %dma_start3A_95 = arith.constant 0 : i32
      %dma_start3A_96 = tpu.memref_slice %arg17[%dma_start3A_95] : memref<10240xf32, #tpu.memory_space<vmem_shared>> -> memref<10240xf32, #tpu.memory_space<vmem_shared>>
      tpu.enqueue_indirect_dma source(%arg12 : memref<80xf32, #tpu.memory_space<vmem>>) target(%dma_start3A_96 : memref<10240xf32, #tpu.memory_space<vmem_shared>>) offsets(%dma_start3A_94 : memref<80xi32, #tpu.memory_space<vmem>>) semaphore(%arg13 : memref<!tpu.dma_semaphore, #tpu.memory_space<semaphore_mem>>) {add = true}
      %scan3A_97 = arith.constant 0 : i32
      scf.yield %scan3A_97 : i32
    }
    %scan3A_50 = arith.constant 125 : i32
    %scan3A_51 = arith.constant 0 : i32
    %scan3A_52 = arith.constant 0 : i32
    %scan3A_53 = arith.constant 125 : i32
    %scan3A_54 = arith.addi %scan3A_52, %scan3A_53 : i32
    %scan3A_55 = arith.constant 1 : i32
    %scan3A_56 = scf.for %scan3A_91 = %scan3A_52 to %scan3A_54 step %scan3A_55 iter_args(%scan3A_92 = %scan3A_51) -> (i32)  : i32 {
      %dma_wait3A = arith.constant 0 : i32
      %dma_wait3A_93 = tpu.memref_slice %arg11[%scan3A_91, %dma_wait3A] : memref<125x80xi32, #tpu.memory_space<vmem>> -> memref<1x80xi32, #tpu.memory_space<vmem>>
      %dma_wait3A_94 = tpu.memref_squeeze %dma_wait3A_93 : memref<1x80xi32, #tpu.memory_space<vmem>> -> memref<80xi32, #tpu.memory_space<vmem>>
      %dma_wait3A_95 = arith.constant 0 : i32
      %dma_wait3A_96 = tpu.memref_slice %arg17[%dma_wait3A_95] : memref<10240xf32, #tpu.memory_space<vmem_shared>> -> memref<10240xf32, #tpu.memory_space<vmem_shared>>
      tpu.wait_indirect_dma semaphore(%arg13 : memref<!tpu.dma_semaphore, #tpu.memory_space<semaphore_mem>>) src(%arg12 : memref<80xf32, #tpu.memory_space<vmem>>) dst(%dma_wait3A_96 : memref<10240xf32, #tpu.memory_space<vmem_shared>>)
      %scan3A_97 = arith.constant 0 : i32
      scf.yield %scan3A_97 : i32
    }
    %scan3A_57 = arith.constant 125 : i32
    "tpu.region"() ({
      %run_scoped3A = tpu.sem_alloc : memref<!tpu.dma_semaphore, #tpu.memory_space<semaphore_mem>>
      %dma_start3A = arith.constant 0 : i32
      %dma_start3A_91 = arith.constant 0 : i32
      %dma_start3A_92 = tpu.memref_slice %arg6[%add3A, %dma_start3A, %dma_start3A_91] : memref<32x125x80xi32, #tpu.memory_space<hbm>> -> memref<1x125x80xi32, #tpu.memory_space<hbm>>
      %dma_start3A_93 = tpu.memref_squeeze %dma_start3A_92 : memref<1x125x80xi32, #tpu.memory_space<hbm>> -> memref<125x80xi32, #tpu.memory_space<hbm>>
      %dma_start3A_94 = arith.constant 0 : i32
      %dma_start3A_95 = arith.constant 0 : i32
      %dma_start3A_96 = tpu.memref_slice %arg6[%add3A, %dma_start3A_94, %dma_start3A_95] : memref<32x125x80xi32, #tpu.memory_space<hbm>> -> memref<1x125x80xi32, #tpu.memory_space<hbm>>
      %dma_start3A_97 = tpu.memref_squeeze %dma_start3A_96 : memref<1x125x80xi32, #tpu.memory_space<hbm>> -> memref<125x80xi32, #tpu.memory_space<hbm>>
      tpu.enqueue_dma source(%dma_start3A_97 : memref<125x80xi32, #tpu.memory_space<hbm>>) target(%arg11 : memref<125x80xi32, #tpu.memory_space<vmem>>) target_semaphore(%run_scoped3A : memref<!tpu.dma_semaphore, #tpu.memory_space<semaphore_mem>>)
      %dma_wait3A = arith.constant 0 : i32
      %dma_wait3A_98 = arith.constant 0 : i32
      %dma_wait3A_99 = tpu.memref_slice %arg6[%add3A, %dma_wait3A, %dma_wait3A_98] : memref<32x125x80xi32, #tpu.memory_space<hbm>> -> memref<1x125x80xi32, #tpu.memory_space<hbm>>
      %dma_wait3A_100 = tpu.memref_squeeze %dma_wait3A_99 : memref<1x125x80xi32, #tpu.memory_space<hbm>> -> memref<125x80xi32, #tpu.memory_space<hbm>>
      %dma_wait3A_101 = arith.constant 0 : i32
      %dma_wait3A_102 = arith.constant 0 : i32
      %dma_wait3A_103 = tpu.memref_slice %arg6[%add3A, %dma_wait3A_101, %dma_wait3A_102] : memref<32x125x80xi32, #tpu.memory_space<hbm>> -> memref<1x125x80xi32, #tpu.memory_space<hbm>>
      %dma_wait3A_104 = tpu.memref_squeeze %dma_wait3A_103 : memref<1x125x80xi32, #tpu.memory_space<hbm>> -> memref<125x80xi32, #tpu.memory_space<hbm>>
      tpu.wait_dma2 semaphore(%run_scoped3A : memref<!tpu.dma_semaphore, #tpu.memory_space<semaphore_mem>>) src(%dma_wait3A_104 : memref<125x80xi32, #tpu.memory_space<hbm>>) dst(%arg11 : memref<125x80xi32, #tpu.memory_space<vmem>>)
      tpu.yield
    }) : () -> ()
    %scan3A_58 = arith.constant 0 : i32
    %scan3A_59 = arith.constant 0 : i32
    %scan3A_60 = arith.constant 125 : i32
    %scan3A_61 = arith.addi %scan3A_59, %scan3A_60 : i32
    %scan3A_62 = arith.constant 1 : i32
    %scan3A_63 = scf.for %scan3A_91 = %scan3A_59 to %scan3A_61 step %scan3A_62 iter_args(%scan3A_92 = %scan3A_58) -> (i32)  : i32 {
      %dma_start3A = arith.constant 0 : i32
      %dma_start3A_93 = tpu.memref_slice %arg11[%scan3A_91, %dma_start3A] : memref<125x80xi32, #tpu.memory_space<vmem>> -> memref<1x80xi32, #tpu.memory_space<vmem>>
      %dma_start3A_94 = tpu.memref_squeeze %dma_start3A_93 : memref<1x80xi32, #tpu.memory_space<vmem>> -> memref<80xi32, #tpu.memory_space<vmem>>
      %dma_start3A_95 = arith.constant 0 : i32
      %dma_start3A_96 = tpu.memref_slice %arg18[%dma_start3A_95] : memref<10240xf32, #tpu.memory_space<vmem_shared>> -> memref<10240xf32, #tpu.memory_space<vmem_shared>>
      tpu.enqueue_indirect_dma source(%arg12 : memref<80xf32, #tpu.memory_space<vmem>>) target(%dma_start3A_96 : memref<10240xf32, #tpu.memory_space<vmem_shared>>) offsets(%dma_start3A_94 : memref<80xi32, #tpu.memory_space<vmem>>) semaphore(%arg13 : memref<!tpu.dma_semaphore, #tpu.memory_space<semaphore_mem>>) {add = true}
      %scan3A_97 = arith.constant 0 : i32
      scf.yield %scan3A_97 : i32
    }
    %scan3A_64 = arith.constant 125 : i32
    %scan3A_65 = arith.constant 0 : i32
    %scan3A_66 = arith.constant 0 : i32
    %scan3A_67 = arith.constant 125 : i32
    %scan3A_68 = arith.addi %scan3A_66, %scan3A_67 : i32
    %scan3A_69 = arith.constant 1 : i32
    %scan3A_70 = scf.for %scan3A_91 = %scan3A_66 to %scan3A_68 step %scan3A_69 iter_args(%scan3A_92 = %scan3A_65) -> (i32)  : i32 {
      %dma_wait3A = arith.constant 0 : i32
      %dma_wait3A_93 = tpu.memref_slice %arg11[%scan3A_91, %dma_wait3A] : memref<125x80xi32, #tpu.memory_space<vmem>> -> memref<1x80xi32, #tpu.memory_space<vmem>>
      %dma_wait3A_94 = tpu.memref_squeeze %dma_wait3A_93 : memref<1x80xi32, #tpu.memory_space<vmem>> -> memref<80xi32, #tpu.memory_space<vmem>>
      %dma_wait3A_95 = arith.constant 0 : i32
      %dma_wait3A_96 = tpu.memref_slice %arg18[%dma_wait3A_95] : memref<10240xf32, #tpu.memory_space<vmem_shared>> -> memref<10240xf32, #tpu.memory_space<vmem_shared>>
      tpu.wait_indirect_dma semaphore(%arg13 : memref<!tpu.dma_semaphore, #tpu.memory_space<semaphore_mem>>) src(%arg12 : memref<80xf32, #tpu.memory_space<vmem>>) dst(%dma_wait3A_96 : memref<10240xf32, #tpu.memory_space<vmem_shared>>)
      %scan3A_97 = arith.constant 0 : i32
      scf.yield %scan3A_97 : i32
    }
    %scan3A_71 = arith.constant 125 : i32
    "tpu.region"() ({
      %run_scoped3A = tpu.sem_alloc : memref<!tpu.dma_semaphore, #tpu.memory_space<semaphore_mem>>
      %dma_start3A = arith.constant 0 : i32
      %dma_start3A_91 = arith.constant 0 : i32
      %dma_start3A_92 = tpu.memref_slice %arg7[%add3A, %dma_start3A, %dma_start3A_91] : memref<32x125x80xi32, #tpu.memory_space<hbm>> -> memref<1x125x80xi32, #tpu.memory_space<hbm>>
      %dma_start3A_93 = tpu.memref_squeeze %dma_start3A_92 : memref<1x125x80xi32, #tpu.memory_space<hbm>> -> memref<125x80xi32, #tpu.memory_space<hbm>>
      %dma_start3A_94 = arith.constant 0 : i32
      %dma_start3A_95 = arith.constant 0 : i32
      %dma_start3A_96 = tpu.memref_slice %arg7[%add3A, %dma_start3A_94, %dma_start3A_95] : memref<32x125x80xi32, #tpu.memory_space<hbm>> -> memref<1x125x80xi32, #tpu.memory_space<hbm>>
      %dma_start3A_97 = tpu.memref_squeeze %dma_start3A_96 : memref<1x125x80xi32, #tpu.memory_space<hbm>> -> memref<125x80xi32, #tpu.memory_space<hbm>>
      tpu.enqueue_dma source(%dma_start3A_97 : memref<125x80xi32, #tpu.memory_space<hbm>>) target(%arg11 : memref<125x80xi32, #tpu.memory_space<vmem>>) target_semaphore(%run_scoped3A : memref<!tpu.dma_semaphore, #tpu.memory_space<semaphore_mem>>)
      %dma_wait3A = arith.constant 0 : i32
      %dma_wait3A_98 = arith.constant 0 : i32
      %dma_wait3A_99 = tpu.memref_slice %arg7[%add3A, %dma_wait3A, %dma_wait3A_98] : memref<32x125x80xi32, #tpu.memory_space<hbm>> -> memref<1x125x80xi32, #tpu.memory_space<hbm>>
      %dma_wait3A_100 = tpu.memref_squeeze %dma_wait3A_99 : memref<1x125x80xi32, #tpu.memory_space<hbm>> -> memref<125x80xi32, #tpu.memory_space<hbm>>
      %dma_wait3A_101 = arith.constant 0 : i32
      %dma_wait3A_102 = arith.constant 0 : i32
      %dma_wait3A_103 = tpu.memref_slice %arg7[%add3A, %dma_wait3A_101, %dma_wait3A_102] : memref<32x125x80xi32, #tpu.memory_space<hbm>> -> memref<1x125x80xi32, #tpu.memory_space<hbm>>
      %dma_wait3A_104 = tpu.memref_squeeze %dma_wait3A_103 : memref<1x125x80xi32, #tpu.memory_space<hbm>> -> memref<125x80xi32, #tpu.memory_space<hbm>>
      tpu.wait_dma2 semaphore(%run_scoped3A : memref<!tpu.dma_semaphore, #tpu.memory_space<semaphore_mem>>) src(%dma_wait3A_104 : memref<125x80xi32, #tpu.memory_space<hbm>>) dst(%arg11 : memref<125x80xi32, #tpu.memory_space<vmem>>)
      tpu.yield
    }) : () -> ()
    %scan3A_72 = arith.constant 0 : i32
    %scan3A_73 = arith.constant 0 : i32
    %scan3A_74 = arith.constant 125 : i32
    %scan3A_75 = arith.addi %scan3A_73, %scan3A_74 : i32
    %scan3A_76 = arith.constant 1 : i32
    %scan3A_77 = scf.for %scan3A_91 = %scan3A_73 to %scan3A_75 step %scan3A_76 iter_args(%scan3A_92 = %scan3A_72) -> (i32)  : i32 {
      %dma_start3A = arith.constant 0 : i32
      %dma_start3A_93 = tpu.memref_slice %arg11[%scan3A_91, %dma_start3A] : memref<125x80xi32, #tpu.memory_space<vmem>> -> memref<1x80xi32, #tpu.memory_space<vmem>>
      %dma_start3A_94 = tpu.memref_squeeze %dma_start3A_93 : memref<1x80xi32, #tpu.memory_space<vmem>> -> memref<80xi32, #tpu.memory_space<vmem>>
      %dma_start3A_95 = arith.constant 0 : i32
      %dma_start3A_96 = tpu.memref_slice %arg19[%dma_start3A_95] : memref<10240xf32, #tpu.memory_space<vmem_shared>> -> memref<10240xf32, #tpu.memory_space<vmem_shared>>
      tpu.enqueue_indirect_dma source(%arg12 : memref<80xf32, #tpu.memory_space<vmem>>) target(%dma_start3A_96 : memref<10240xf32, #tpu.memory_space<vmem_shared>>) offsets(%dma_start3A_94 : memref<80xi32, #tpu.memory_space<vmem>>) semaphore(%arg13 : memref<!tpu.dma_semaphore, #tpu.memory_space<semaphore_mem>>) {add = true}
      %scan3A_97 = arith.constant 0 : i32
      scf.yield %scan3A_97 : i32
    }
    %scan3A_78 = arith.constant 125 : i32
    %scan3A_79 = arith.constant 0 : i32
    %scan3A_80 = arith.constant 0 : i32
    %scan3A_81 = arith.constant 125 : i32
    %scan3A_82 = arith.addi %scan3A_80, %scan3A_81 : i32
    %scan3A_83 = arith.constant 1 : i32
    %scan3A_84 = scf.for %scan3A_91 = %scan3A_80 to %scan3A_82 step %scan3A_83 iter_args(%scan3A_92 = %scan3A_79) -> (i32)  : i32 {
      %dma_wait3A = arith.constant 0 : i32
      %dma_wait3A_93 = tpu.memref_slice %arg11[%scan3A_91, %dma_wait3A] : memref<125x80xi32, #tpu.memory_space<vmem>> -> memref<1x80xi32, #tpu.memory_space<vmem>>
      %dma_wait3A_94 = tpu.memref_squeeze %dma_wait3A_93 : memref<1x80xi32, #tpu.memory_space<vmem>> -> memref<80xi32, #tpu.memory_space<vmem>>
      %dma_wait3A_95 = arith.constant 0 : i32
      %dma_wait3A_96 = tpu.memref_slice %arg19[%dma_wait3A_95] : memref<10240xf32, #tpu.memory_space<vmem_shared>> -> memref<10240xf32, #tpu.memory_space<vmem_shared>>
      tpu.wait_indirect_dma semaphore(%arg13 : memref<!tpu.dma_semaphore, #tpu.memory_space<semaphore_mem>>) src(%arg12 : memref<80xf32, #tpu.memory_space<vmem>>) dst(%dma_wait3A_96 : memref<10240xf32, #tpu.memory_space<vmem_shared>>)
      %scan3A_97 = arith.constant 0 : i32
      scf.yield %scan3A_97 : i32
    }
    %scan3A_85 = arith.constant 125 : i32
    %barrier3A_86 = arith.constant 0 : index
    tpu.barrier barrier_id(%barrier3A_86)
    %lt3A = arith.constant 10 : i32
    %lt3A_87 = arith.cmpi slt, %arg1, %lt3A : i32
    %convert_element_type3A_88 = arith.extui %lt3A_87 : i1 to i32
    %cond3A_89 = arith.constant 0 : i32
    %cond3A_90 = arith.cmpi ne, %convert_element_type3A_88, %cond3A_89 : i32
    scf.if %cond3A_90 {
      %mul3A_91 = arith.constant 1024 : i32
      %mul3A_92 = arith.muli %arg1, %mul3A_91 : i32
      %mul3A_93 = arith.constant 1024 : i32
      %mul3A_94 = arith.muli %arg1, %mul3A_93 : i32
      %run_scoped3A = arith.constant 0 : i32
      %run_scoped3A_95 = arith.constant 0 : i32
      "tpu.region"() ({
        %run_scoped3A_126 = tpu.sem_alloc : memref<!tpu.dma_semaphore, #tpu.memory_space<semaphore_mem>>
        %dma_start3A = tpu.memref_slice %arg10[%arg0, %run_scoped3A, %run_scoped3A_95, %mul3A_94] : memref<2x6x1x10240xf32, #tpu.memory_space<hbm>> -> memref<1x1x1x1024xf32, #tpu.memory_space<hbm>>
        %dma_start3A_127 = tpu.memref_squeeze %dma_start3A : memref<1x1x1x1024xf32, #tpu.memory_space<hbm>> -> memref<1024xf32, #tpu.memory_space<hbm>>
        %dma_start3A_128 = tpu.memref_slice %arg14[%mul3A_92] : memref<10240xf32, #tpu.memory_space<vmem_shared>> -> memref<1024xf32, #tpu.memory_space<vmem_shared>>
        tpu.enqueue_dma source(%dma_start3A_128 : memref<1024xf32, #tpu.memory_space<vmem_shared>>) target(%dma_start3A_127 : memref<1024xf32, #tpu.memory_space<hbm>>) target_semaphore(%run_scoped3A_126 : memref<!tpu.dma_semaphore, #tpu.memory_space<semaphore_mem>>)
        %dma_wait3A = tpu.memref_slice %arg10[%arg0, %run_scoped3A, %run_scoped3A_95, %mul3A_94] : memref<2x6x1x10240xf32, #tpu.memory_space<hbm>> -> memref<1x1x1x1024xf32, #tpu.memory_space<hbm>>
        %dma_wait3A_129 = tpu.memref_squeeze %dma_wait3A : memref<1x1x1x1024xf32, #tpu.memory_space<hbm>> -> memref<1024xf32, #tpu.memory_space<hbm>>
        %dma_wait3A_130 = tpu.memref_slice %arg14[%mul3A_92] : memref<10240xf32, #tpu.memory_space<vmem_shared>> -> memref<1024xf32, #tpu.memory_space<vmem_shared>>
        tpu.wait_dma2 semaphore(%run_scoped3A_126 : memref<!tpu.dma_semaphore, #tpu.memory_space<semaphore_mem>>) src(%dma_wait3A_130 : memref<1024xf32, #tpu.memory_space<vmem_shared>>) dst(%dma_wait3A_129 : memref<1024xf32, #tpu.memory_space<hbm>>)
        tpu.yield
      }) : () -> ()
      %mul3A_96 = arith.constant 1024 : i32
      %mul3A_97 = arith.muli %arg1, %mul3A_96 : i32
      %mul3A_98 = arith.constant 1024 : i32
      %mul3A_99 = arith.muli %arg1, %mul3A_98 : i32
      %run_scoped3A_100 = arith.constant 1 : i32
      %run_scoped3A_101 = arith.constant 0 : i32
      "tpu.region"() ({
        %run_scoped3A_126 = tpu.sem_alloc : memref<!tpu.dma_semaphore, #tpu.memory_space<semaphore_mem>>
        %dma_start3A = tpu.memref_slice %arg10[%arg0, %run_scoped3A_100, %run_scoped3A_101, %mul3A_99] : memref<2x6x1x10240xf32, #tpu.memory_space<hbm>> -> memref<1x1x1x1024xf32, #tpu.memory_space<hbm>>
        %dma_start3A_127 = tpu.memref_squeeze %dma_start3A : memref<1x1x1x1024xf32, #tpu.memory_space<hbm>> -> memref<1024xf32, #tpu.memory_space<hbm>>
        %dma_start3A_128 = tpu.memref_slice %arg15[%mul3A_97] : memref<10240xf32, #tpu.memory_space<vmem_shared>> -> memref<1024xf32, #tpu.memory_space<vmem_shared>>
        tpu.enqueue_dma source(%dma_start3A_128 : memref<1024xf32, #tpu.memory_space<vmem_shared>>) target(%dma_start3A_127 : memref<1024xf32, #tpu.memory_space<hbm>>) target_semaphore(%run_scoped3A_126 : memref<!tpu.dma_semaphore, #tpu.memory_space<semaphore_mem>>)
        %dma_wait3A = tpu.memref_slice %arg10[%arg0, %run_scoped3A_100, %run_scoped3A_101, %mul3A_99] : memref<2x6x1x10240xf32, #tpu.memory_space<hbm>> -> memref<1x1x1x1024xf32, #tpu.memory_space<hbm>>
        %dma_wait3A_129 = tpu.memref_squeeze %dma_wait3A : memref<1x1x1x1024xf32, #tpu.memory_space<hbm>> -> memref<1024xf32, #tpu.memory_space<hbm>>
        %dma_wait3A_130 = tpu.memref_slice %arg15[%mul3A_97] : memref<10240xf32, #tpu.memory_space<vmem_shared>> -> memref<1024xf32, #tpu.memory_space<vmem_shared>>
        tpu.wait_dma2 semaphore(%run_scoped3A_126 : memref<!tpu.dma_semaphore, #tpu.memory_space<semaphore_mem>>) src(%dma_wait3A_130 : memref<1024xf32, #tpu.memory_space<vmem_shared>>) dst(%dma_wait3A_129 : memref<1024xf32, #tpu.memory_space<hbm>>)
        tpu.yield
      }) : () -> ()
      %mul3A_102 = arith.constant 1024 : i32
      %mul3A_103 = arith.muli %arg1, %mul3A_102 : i32
      %mul3A_104 = arith.constant 1024 : i32
      %mul3A_105 = arith.muli %arg1, %mul3A_104 : i32
      %run_scoped3A_106 = arith.constant 2 : i32
      %run_scoped3A_107 = arith.constant 0 : i32
      "tpu.region"() ({
        %run_scoped3A_126 = tpu.sem_alloc : memref<!tpu.dma_semaphore, #tpu.memory_space<semaphore_mem>>
        %dma_start3A = tpu.memref_slice %arg10[%arg0, %run_scoped3A_106, %run_scoped3A_107, %mul3A_105] : memref<2x6x1x10240xf32, #tpu.memory_space<hbm>> -> memref<1x1x1x1024xf32, #tpu.memory_space<hbm>>
        %dma_start3A_127 = tpu.memref_squeeze %dma_start3A : memref<1x1x1x1024xf32, #tpu.memory_space<hbm>> -> memref<1024xf32, #tpu.memory_space<hbm>>
        %dma_start3A_128 = tpu.memref_slice %arg16[%mul3A_103] : memref<10240xf32, #tpu.memory_space<vmem_shared>> -> memref<1024xf32, #tpu.memory_space<vmem_shared>>
        tpu.enqueue_dma source(%dma_start3A_128 : memref<1024xf32, #tpu.memory_space<vmem_shared>>) target(%dma_start3A_127 : memref<1024xf32, #tpu.memory_space<hbm>>) target_semaphore(%run_scoped3A_126 : memref<!tpu.dma_semaphore, #tpu.memory_space<semaphore_mem>>)
        %dma_wait3A = tpu.memref_slice %arg10[%arg0, %run_scoped3A_106, %run_scoped3A_107, %mul3A_105] : memref<2x6x1x10240xf32, #tpu.memory_space<hbm>> -> memref<1x1x1x1024xf32, #tpu.memory_space<hbm>>
        %dma_wait3A_129 = tpu.memref_squeeze %dma_wait3A : memref<1x1x1x1024xf32, #tpu.memory_space<hbm>> -> memref<1024xf32, #tpu.memory_space<hbm>>
        %dma_wait3A_130 = tpu.memref_slice %arg16[%mul3A_103] : memref<10240xf32, #tpu.memory_space<vmem_shared>> -> memref<1024xf32, #tpu.memory_space<vmem_shared>>
        tpu.wait_dma2 semaphore(%run_scoped3A_126 : memref<!tpu.dma_semaphore, #tpu.memory_space<semaphore_mem>>) src(%dma_wait3A_130 : memref<1024xf32, #tpu.memory_space<vmem_shared>>) dst(%dma_wait3A_129 : memref<1024xf32, #tpu.memory_space<hbm>>)
        tpu.yield
      }) : () -> ()
      %mul3A_108 = arith.constant 1024 : i32
      %mul3A_109 = arith.muli %arg1, %mul3A_108 : i32
      %mul3A_110 = arith.constant 1024 : i32
      %mul3A_111 = arith.muli %arg1, %mul3A_110 : i32
      %run_scoped3A_112 = arith.constant 3 : i32
      %run_scoped3A_113 = arith.constant 0 : i32
      "tpu.region"() ({
        %run_scoped3A_126 = tpu.sem_alloc : memref<!tpu.dma_semaphore, #tpu.memory_space<semaphore_mem>>
        %dma_start3A = tpu.memref_slice %arg10[%arg0, %run_scoped3A_112, %run_scoped3A_113, %mul3A_111] : memref<2x6x1x10240xf32, #tpu.memory_space<hbm>> -> memref<1x1x1x1024xf32, #tpu.memory_space<hbm>>
        %dma_start3A_127 = tpu.memref_squeeze %dma_start3A : memref<1x1x1x1024xf32, #tpu.memory_space<hbm>> -> memref<1024xf32, #tpu.memory_space<hbm>>
        %dma_start3A_128 = tpu.memref_slice %arg17[%mul3A_109] : memref<10240xf32, #tpu.memory_space<vmem_shared>> -> memref<1024xf32, #tpu.memory_space<vmem_shared>>
        tpu.enqueue_dma source(%dma_start3A_128 : memref<1024xf32, #tpu.memory_space<vmem_shared>>) target(%dma_start3A_127 : memref<1024xf32, #tpu.memory_space<hbm>>) target_semaphore(%run_scoped3A_126 : memref<!tpu.dma_semaphore, #tpu.memory_space<semaphore_mem>>)
        %dma_wait3A = tpu.memref_slice %arg10[%arg0, %run_scoped3A_112, %run_scoped3A_113, %mul3A_111] : memref<2x6x1x10240xf32, #tpu.memory_space<hbm>> -> memref<1x1x1x1024xf32, #tpu.memory_space<hbm>>
        %dma_wait3A_129 = tpu.memref_squeeze %dma_wait3A : memref<1x1x1x1024xf32, #tpu.memory_space<hbm>> -> memref<1024xf32, #tpu.memory_space<hbm>>
        %dma_wait3A_130 = tpu.memref_slice %arg17[%mul3A_109] : memref<10240xf32, #tpu.memory_space<vmem_shared>> -> memref<1024xf32, #tpu.memory_space<vmem_shared>>
        tpu.wait_dma2 semaphore(%run_scoped3A_126 : memref<!tpu.dma_semaphore, #tpu.memory_space<semaphore_mem>>) src(%dma_wait3A_130 : memref<1024xf32, #tpu.memory_space<vmem_shared>>) dst(%dma_wait3A_129 : memref<1024xf32, #tpu.memory_space<hbm>>)
        tpu.yield
      }) : () -> ()
      %mul3A_114 = arith.constant 1024 : i32
      %mul3A_115 = arith.muli %arg1, %mul3A_114 : i32
      %mul3A_116 = arith.constant 1024 : i32
      %mul3A_117 = arith.muli %arg1, %mul3A_116 : i32
      %run_scoped3A_118 = arith.constant 4 : i32
      %run_scoped3A_119 = arith.constant 0 : i32
      "tpu.region"() ({
        %run_scoped3A_126 = tpu.sem_alloc : memref<!tpu.dma_semaphore, #tpu.memory_space<semaphore_mem>>
        %dma_start3A = tpu.memref_slice %arg10[%arg0, %run_scoped3A_118, %run_scoped3A_119, %mul3A_117] : memref<2x6x1x10240xf32, #tpu.memory_space<hbm>> -> memref<1x1x1x1024xf32, #tpu.memory_space<hbm>>
        %dma_start3A_127 = tpu.memref_squeeze %dma_start3A : memref<1x1x1x1024xf32, #tpu.memory_space<hbm>> -> memref<1024xf32, #tpu.memory_space<hbm>>
        %dma_start3A_128 = tpu.memref_slice %arg18[%mul3A_115] : memref<10240xf32, #tpu.memory_space<vmem_shared>> -> memref<1024xf32, #tpu.memory_space<vmem_shared>>
        tpu.enqueue_dma source(%dma_start3A_128 : memref<1024xf32, #tpu.memory_space<vmem_shared>>) target(%dma_start3A_127 : memref<1024xf32, #tpu.memory_space<hbm>>) target_semaphore(%run_scoped3A_126 : memref<!tpu.dma_semaphore, #tpu.memory_space<semaphore_mem>>)
        %dma_wait3A = tpu.memref_slice %arg10[%arg0, %run_scoped3A_118, %run_scoped3A_119, %mul3A_117] : memref<2x6x1x10240xf32, #tpu.memory_space<hbm>> -> memref<1x1x1x1024xf32, #tpu.memory_space<hbm>>
        %dma_wait3A_129 = tpu.memref_squeeze %dma_wait3A : memref<1x1x1x1024xf32, #tpu.memory_space<hbm>> -> memref<1024xf32, #tpu.memory_space<hbm>>
        %dma_wait3A_130 = tpu.memref_slice %arg18[%mul3A_115] : memref<10240xf32, #tpu.memory_space<vmem_shared>> -> memref<1024xf32, #tpu.memory_space<vmem_shared>>
        tpu.wait_dma2 semaphore(%run_scoped3A_126 : memref<!tpu.dma_semaphore, #tpu.memory_space<semaphore_mem>>) src(%dma_wait3A_130 : memref<1024xf32, #tpu.memory_space<vmem_shared>>) dst(%dma_wait3A_129 : memref<1024xf32, #tpu.memory_space<hbm>>)
        tpu.yield
      }) : () -> ()
      %mul3A_120 = arith.constant 1024 : i32
      %mul3A_121 = arith.muli %arg1, %mul3A_120 : i32
      %mul3A_122 = arith.constant 1024 : i32
      %mul3A_123 = arith.muli %arg1, %mul3A_122 : i32
      %run_scoped3A_124 = arith.constant 5 : i32
      %run_scoped3A_125 = arith.constant 0 : i32
      "tpu.region"() ({
        %run_scoped3A_126 = tpu.sem_alloc : memref<!tpu.dma_semaphore, #tpu.memory_space<semaphore_mem>>
        %dma_start3A = tpu.memref_slice %arg10[%arg0, %run_scoped3A_124, %run_scoped3A_125, %mul3A_123] : memref<2x6x1x10240xf32, #tpu.memory_space<hbm>> -> memref<1x1x1x1024xf32, #tpu.memory_space<hbm>>
        %dma_start3A_127 = tpu.memref_squeeze %dma_start3A : memref<1x1x1x1024xf32, #tpu.memory_space<hbm>> -> memref<1024xf32, #tpu.memory_space<hbm>>
        %dma_start3A_128 = tpu.memref_slice %arg19[%mul3A_121] : memref<10240xf32, #tpu.memory_space<vmem_shared>> -> memref<1024xf32, #tpu.memory_space<vmem_shared>>
        tpu.enqueue_dma source(%dma_start3A_128 : memref<1024xf32, #tpu.memory_space<vmem_shared>>) target(%dma_start3A_127 : memref<1024xf32, #tpu.memory_space<hbm>>) target_semaphore(%run_scoped3A_126 : memref<!tpu.dma_semaphore, #tpu.memory_space<semaphore_mem>>)
        %dma_wait3A = tpu.memref_slice %arg10[%arg0, %run_scoped3A_124, %run_scoped3A_125, %mul3A_123] : memref<2x6x1x10240xf32, #tpu.memory_space<hbm>> -> memref<1x1x1x1024xf32, #tpu.memory_space<hbm>>
        %dma_wait3A_129 = tpu.memref_squeeze %dma_wait3A : memref<1x1x1x1024xf32, #tpu.memory_space<hbm>> -> memref<1024xf32, #tpu.memory_space<hbm>>
        %dma_wait3A_130 = tpu.memref_slice %arg19[%mul3A_121] : memref<10240xf32, #tpu.memory_space<vmem_shared>> -> memref<1024xf32, #tpu.memory_space<vmem_shared>>
        tpu.wait_dma2 semaphore(%run_scoped3A_126 : memref<!tpu.dma_semaphore, #tpu.memory_space<semaphore_mem>>) src(%dma_wait3A_130 : memref<1024xf32, #tpu.memory_space<vmem_shared>>) dst(%dma_wait3A_129 : memref<1024xf32, #tpu.memory_space<hbm>>)
        tpu.yield
      }) : () -> ()
    } else {
    }
    return
  }
}

</mosaic_0001>

<sc_bundles>
// kernel: _sc_degrees.3.cloned.1.call-start
scs
__scs_entry_jumppad:
0x0: {  	(pc) =	sbr.rel $0x88, $3  }
0x1: {  	(tag) =	ssettag $0x0;
	lr =	simm.s32 $0x1  }
0x2: {  	[smem:$0x3F99] =	sst lr;
	_ =	strace $0xD0000000  }
0x3: {  	_ = 	snop  }
0x4: {  	_ = 	snop  }
0x5: {  	_ = 	snop  }
0x6: {  	_ = 	snop  }
0x7: {  	_ = 	snop  }
__scs_overlays_trampoline_lowered:
0x8: {  	[smem:$0x3FA8] =	sst s0  }
0x9: {  	[smem:$0x3FA9] =	sst s1  }
0xa: {  	[smem:$0x3FAA] =	sst s2  }
0xb: {  	[smem:$0x3FAB] =	sst s3  }
0xc: {  	[smem:$0x3FAC] =	sst s4  }
0xd: {  	[smem:$0x3FAD] =	sst s5  }
0xe: {  	[smem:$0x3FAE] =	sst s6  }
0xf: {  	[smem:$0x3FAF] =	sst s7  }
0x10: {  	[smem:$0x3FB0] =	sst s8  }
0x11: {  	[smem:$0x3FB1] =	sst s9;
	s0 =	simm.s32 @!p0 $0x0  }
0x12: {  	s1 =	sld [smem:$0x3F97];
	s0 =	simm.s32 @p0 $0x1  }
0x13: {  	[smem:$0x3FB2] =	sst s0;
	s0 =	simm.s32 @!p1 $0x0  }
0x14: {  	s2 =	sld [smem:$0x3F96];
	s0 =	simm.s32 @p1 $0x1  }
0x15: {  	[smem:$0x3FB3] =	sst s0;
	s0 =	simm.s32 @!p2 $0x0  }
0x16: {  	s3 =	sld [smem:$0x3FDB];
	s0 =	simm.s32 @p2 $0x1  }
0x17: {  	s4 =	simm.s32 $0x1BF5;
	[smem:$0x3FB5] =	sst s0  }
0x18: {  	s0 =	sld [smem:$0x3F98];
	_ =	swait.ge [sflag:s4], $0x0  }
0x19: {  	s7 =	sld [smem:$0x3F99]  }
0x1a: {  	s8 =	sadd.s32 $0xFFFFE003, lr  }
0x1b: {  	s9 =	sadd.s32 $0xFFFFFEF7, lr;
	s5 =	simm.s32 $0xFFFFFFFF;
	p2 =	slt.u32 s8, $0xFFFFF086  }
0x1c: {  	p1 =	slt.u32 s9, $0xF7A;
	s5 =	simm.s32 @!p2 $0x0  }
0x1d: {  	s5 =	simm.s32 @p1 $0x1;
	p0 =	seq.s32 s7, s2  }
0x1e: {  	s7 =	smul.u32 @!p0 $0xF7A, s2;
	p2 =	seq.s32 @!p0 s5, $0x0  }
0x1f: {  	s9 =	smul.u32 $0xF7A, s1;
	s8 =	simm.s32 @!p0 $0x1BF5;
	p2 =	por !p2, p0  }
0x20: {  	[sflag:s8] =	ssyncset.s32 @!p0 $0xFFFFF086;
	s6 =	sadd.s32 @!p0 s3, s7;
	s7 =	simm.s32 @!p0 $0x108  }
0x21: {  	s3 =	sadd.s32 s3, s9;
	s6 =	sadd.s32 @!p0 $0x88, s6;
	s7 =	simm.s32 @p2 $0x1082  }
0x22: {  	[simem:s7], [sflag:s8] =	dma.local @!p0 [hbm:s6], $0xF7A  }
0x23: {  	s9 =	sor.u32 $0xD0000000, s2;
	s6 =	simm.s32 $0x108;
	_ =	swait.ge @!p0 [sflag:s8], $0x0  }
0x24: {  	s3 =	sadd.s32 $0x88, s3;
	s6 =	simm.s32 @!p1 $0x1082;
	[sflag:s4] =	ssyncset.s32 $0xFFFFF086  }
0x25: {  	[simem:s6], [sflag:s4] =	dma.local [hbm:s3], $0xF7A  }
0x26: {  	[smem:$0x3F99] =	sst s1;
	(tag) =	ssettag s2;
	_ =	strace s9  }
0x27: {  	s1 =	sld [smem:$0x3FA9]  }
0x28: {  	s2 =	sld [smem:$0x3FAA]  }
0x29: {  	s4 =	sld [smem:$0x3FAC]  }
0x2a: {  	p0 =	seq.s32 s5, $0x0;
	s5 =	sld [smem:$0x3FAD]  }
0x2b: {  	s6 =	sld [smem:$0x3FAE]  }
0x2c: {  	s7 =	sld [smem:$0x3FAF]  }
0x2d: {  	s3 =	simm.s32 $0x108;
	s8 =	sld [smem:$0x3FB0]  }
0x2e: {  	s3 =	simm.s32 @!p0 $0x1082;
	s9 =	sld [smem:$0x3FB1]  }
0x2f: {  	lr =	sadd.s32 s0, s3;
	s0 =	sld [smem:$0x3FA8]  }
0x30: {  	s3 =	sld [smem:$0x3FAB]  }
0x31: {  	[smem:$0x3FB4] =	sst s10  }
0x32: {  	s10 =	sld [smem:$0x3FB2];
	_ =	sdelay $0x3  }
0x33: {  	p0 =	seq.s32 s10, $0x1;
	s10 =	sld [smem:$0x3FB4];
	_ =	sdelay $0x3  }
0x34: {  	[smem:$0x3FB4] =	sst s10  }
0x35: {  	s10 =	sld [smem:$0x3FB3];
	_ =	sdelay $0x3  }
0x36: {  	p1 =	seq.s32 s10, $0x1;
	s10 =	sld [smem:$0x3FB4];
	_ =	sdelay $0x3  }
0x37: {  	[smem:$0x3FB4] =	sst s10  }
0x38: {  	s10 =	sld [smem:$0x3FB5]  }
0x39: {  	_ = 	snop;
	(pc) =	sbr.ind lr, $3  }
0x3a: {  	_ = 	snop  }
0x3b: {  	_ = 	snop  }
0x3c: {  	p2 =	seq.s32 s10, $0x1;
	s10 =	sld [smem:$0x3FB4]  }
0x3d: {  	_ =	shalt  }
0x3e: {  	_ =	shalt  }
0x3f: {  	_ =	shalt  }
0x40: {  	_ =	shalt  }
0x41: {  	_ =	shalt  }
0x42: {  	_ =	shalt  }
0x43: {  	_ =	shalt  }
0x44: {  	_ =	shalt  }
0x45: {  	_ =	shalt  }
0x46: {  	_ =	shalt  }
0x47: {  	_ =	shalt  }
0x48: {  	_ =	shalt  }
0x49: {  	_ =	shalt  }
0x4a: {  	_ =	shalt  }
0x4b: {  	_ =	shalt  }
0x4c: {  	_ =	shalt  }
0x4d: {  	_ =	shalt  }
0x4e: {  	_ =	shalt  }
0x4f: {  	_ =	shalt  }
0x50: {  	_ =	shalt  }
0x51: {  	_ =	shalt  }
0x52: {  	_ =	shalt  }
0x53: {  	_ =	shalt  }
0x54: {  	_ =	shalt  }
0x55: {  	_ =	shalt  }
0x56: {  	_ =	shalt  }
0x57: {  	_ =	shalt  }
0x58: {  	_ =	shalt  }
0x59: {  	_ =	shalt  }
0x5a: {  	_ =	shalt  }
0x5b: {  	_ =	shalt  }
0x5c: {  	_ =	shalt  }
0x5d: {  	_ =	shalt  }
0x5e: {  	_ =	shalt  }
0x5f: {  	_ =	shalt  }
0x60: {  	_ =	shalt  }
0x61: {  	_ =	shalt  }
0x62: {  	_ =	shalt  }
0x63: {  	_ =	shalt  }
0x64: {  	_ =	shalt  }
0x65: {  	_ =	shalt  }
0x66: {  	_ =	shalt  }
0x67: {  	_ =	shalt  }
0x68: {  	_ =	shalt  }
0x69: {  	_ =	shalt  }
0x6a: {  	_ =	shalt  }
0x6b: {  	_ =	shalt  }
0x6c: {  	_ =	shalt  }
0x6d: {  	_ =	shalt  }
0x6e: {  	_ =	shalt  }
0x6f: {  	_ =	shalt  }
0x70: {  	_ =	shalt  }
0x71: {  	_ =	shalt  }
0x72: {  	_ =	shalt  }
0x73: {  	_ =	shalt  }
0x74: {  	_ =	shalt  }
0x75: {  	_ =	shalt  }
0x76: {  	_ =	shalt  }
0x77: {  	_ =	shalt  }
0x78: {  	_ =	shalt  }
0x79: {  	_ =	shalt  }
0x7a: {  	_ =	shalt  }
0x7b: {  	_ =	shalt  }
0x7c: {  	_ =	shalt  }
0x7d: {  	_ =	shalt  }
0x7e: {  	_ =	shalt  }
0x7f: {  	_ =	shalt  }
0x80: {  	_ =	shalt  }
0x81: {  	_ =	shalt  }
0x82: {  	_ =	shalt  }
0x83: {  	_ =	shalt  }
0x84: {  	_ =	shalt  }
0x85: {  	_ =	shalt  }
0x86: {  	_ =	shalt  }
0x87: {  	_ =	shalt  }
.Lfunc_end0:
.L_simem_size_0:
called_computation_lowered:
.L_overlay_start_0:
0x88: {  	s2 =	sld [smem:$0x3FD9]  }
0x89: {  	s3 =	sld [smem:$0x3FFE];
	_ =	sdelay $0x1  }
0x8a: {  	s1 =	srdreg.scid  }
0x8b: {  	s0 =	sand.u32 $0x1, s1  }
0x8c: {  	s17 =	sshll.u32 s0, $0xA;
	s2 =	sadd.s32 s3, s2  }
0x8d: {  	s2 =	sadd.s32 s2, s17  }
0x8e: {  	[smem:$0x3FC0] =	sst s2  }
0x8f: {  	_ = 	snop  }
0x90: {  	s2 =	sld [smem:$0x3FC3]  }
0x91: {  	s18 =	sld [smem:$0x3FC2]  }
0x92: {  	s4 =	sld [smem:$0x3FD0];
	(tm) =	ssettm $0x1  }
0x93: {  	s5 =	sld [smem:$0x3FFB];
	_ =	sdelay $0x3  }
0x94: {  	_ =	strace s5  }
0x95: {  	s5 =	sld [smem:$0x3FFC];
	_ =	sdelay $0x3  }
0x96: {  	_ =	strace s5  }
0x97: {  	s5 =	sld [smem:$0x3FFD];
	_ =	sdelay $0x3  }
0x98: {  	_ =	strace s5  }
0x99: {  	_ =	strace $0x8FFFFFFF  }
0x9a: {  	s19 =	sld [smem:$0x3FDB];
	_ =	sdelay $0x1  }
0x9b: {  	s6 =	simm.s32 $_scs_section_size  }
0x9c: {  	s7 =	simm.s32 $_size__tile_overlayer_lowered;
	s8 =	simm.s32 $_tile_overlayer_lowered  }
0x9d: {  	s22 =	simm.s32 $0x1BFF;
	s21 =	sshll.u32 s8, $0x1;
	s5 =	sadd.s32 s6, s19  }
0x9e: {  	s9 =	simm.s32 $0x0;
	s20 =	sshll.u32 s7, $0x1;
	s7 =	sadd.s32 s21, s5  }
0x9f: {  	[timem:s9], [sflag:s22] =	dma.local [hbm:s7], s20  }
0xa0: {  	_ =	swait.ge [sflag:s22], s20  }
0xa1: {  	s6 =	ssub.s32 $0x0, s20;
	[sflag:s22] =	ssyncset.done $0x0  }
0xa2: {  	[sflag:s22] =	ssyncadd.s32 s6;
	_ =	sdelay $0x1  }
0xa3: {  	s23 =	simm.s32 $0x1B8B  }
0xa4: {  	_ =	swait.ge [sflag:s23], $0x1  }
0xa5: {  	[sflag:s23] =	ssyncset.done $0x0  }
0xa6: {  	s25 =	simm.s32 $0x1B8E;
	s24 =	sld [smem:$0x3FFE];
	[sflag:s23] =	ssyncadd.s32 $0xFFFFFFFF  }
0xa7: {  	s26 =	simm.s32 $execute0_lowered;
	[smem:$0x3FD2] =	sst s25  }
0xa8: {  	s7 =	sshll.u32 s26, $0x1;
	_ =	strace $0x80000046;
	[dreg:$0x1] =	wrdreg $0xFFFFFFFF  }
0xa9: {  	s28 =	simm.s32 $_size_execute0_lowered;
	s5 =	sadd.s32 s5, s7;
	[dreg:$0x0] =	wrdreg $0x0  }
0xaa: {  	s7 =	sshll.u32 s28, $0x1;
	[dreg:$0x2] =	wrdreg s5  }
0xab: {  	[dreg:$0x3] =	wrdreg s7  }
0xac: {  	[dreg:$0x4] =	wrdreg $0xC0  }
0xad: {  	_ =	task [dreg:s9], $0x5FFFF  }
0xae: {  	[dreg:$0x1] =	wrdreg $0xFFFFFFFF  }
0xaf: {  	[dreg:$0x0] =	wrdreg $0x60  }
0xb0: {  	[dreg:$0x2] =	wrdreg s24  }
0xb1: {  	[dreg:$0x3] =	wrdreg s2  }
0xb2: {  	[dreg:$0x4] =	wrdreg s18  }
0xb3: {  	[dreg:$0x5] =	wrdreg s4  }
0xb4: {  	[dreg:$0x6] =	wrdreg $0x40800  }
0xb5: {  	[dreg:$0x7] =	wrdreg $0x43000  }
0xb6: {  	[dreg:$0x8] =	wrdreg $0x45800  }
0xb7: {  	[dreg:$0x9] =	wrdreg $0x48000  }
0xb8: {  	[dreg:$0xa] =	wrdreg $0x4A800  }
0xb9: {  	[dreg:$0xb] =	wrdreg $0x4D000  }
0xba: {  	[dreg:$0xc] =	wrdreg $0x9  }
0xbb: {  	_ =	task.clear_ibuf [dreg:s9], $0xDFFFF;
	_ =	strace $0x90000046  }
0xbc: {  	s29 =	simm.s32 $0x9;
	_ =	strace $0x80000048  }
0xbd: {  	_ =	swait.ge [sflag:s29], $0x1  }
0xbe: {  	[sflag:s29] =	ssyncadd.s32 $0xFFFFFFFF  }
0xbf: {  	_ =	strace $0x90000048  }
0xc0: {  	_ =	sfence  }
0xc1: {  	s30 =	sld [smem:$0x0];
	_ =	sdelay $0x2  }
0xc2: {  	s31 =	sshll.u32 s1, $0xD;
	s1 =	sshrl.u32 s1, $0x2  }
0xc3: {  	s3 =	sand.u32 $0x4000, s31;
	s1 =	sadd.s32 s1, s30  }
0xc4: {  	s0 =	sor.u32 s3, s0;
	s1 =	sshll.u32 s1, $0x11  }
0xc5: {  	s0 =	sor.u32 s1, s0  }
0xc6: {  	s0 =	sadd.s32 $0x8F2B, s0  }
0xc7: {  	[sflag:s0] =	ssyncadd.remote.s32 $0x1  }
0xc8: {  	_ =	sfence.sel $0xFFFF  }
0xc9: {  	[dreg:$0x0] =	wrdreg $0xFFFFFFFF;
	(pc) =	sbr.abs _section_cstart, $3  }
0xca: {  	[dreg:$0x1] =	wrdreg $0xFFFFFFFF  }
0xcb: {  	_ =	task.clear_ibuf [dreg:s9], $0x2FFFF;
	_ =	strace $0x9FFFFFFF  }
0xcc: {  	(tm) =	ssettm $0x7FFFFFFF  }
0xcd: {  	_ =	shalt  }
tec
execute0_lowered:
.L_overlay_start_1:
0x0: {  	(tag) =	ssettag $0x1  }
0x1: {  	s0 =	rddreg [dreg:$0x0]  }
0x2: {  	s1 =	rddreg [dreg:$0x2]  }
0x3: {  	s3 =	rddreg [dreg:$0x3]  }
0x4: {  	s2 =	rddreg [dreg:$0x4]  }
0x5: {  	s4 =	rddreg [dreg:$0x5]  }
0x6: {  	s5 =	rddreg [dreg:$0x6]  }
0x7: {  	s6 =	rddreg [dreg:$0x7]  }
0x8: {  	s7 =	rddreg [dreg:$0x8]  }
0x9: {  	s8 =	rddreg [dreg:$0x9];
	s9 =	srdreg.scid  }
0xa: {  	s10 =	simm.s32 $0x0;
	s12 =	stileid.u32;
	s31 =	simm.s32 $0x4000  }
0xb: {  	s9 =	sand.u32 $0x1, s9;
	[smem:$0x7FF] =	sst s10;
	s11 =	sshll.u32 s12, $0xB  }
0xc: {  	s25 =	sshll.u32 s12, $0xA;
	p0 =	sne.s32 s12, $0x0;
	p1 =	sgt.u32 s12, $0x9  }
0xd: {  	s21 =	sshll.u32 s9, $0xF;
	_ =	strace $0x80000047;
	s22 =	ssub.s32 $0x2, s9  }
0xe: {  	s9 =	smul.u32 $0xF000, s9;
	s10 =	sor.u32 s11, s21;
	s23 =	sshrl.u32 s22, $0x1  }
0xf: {  	s11 =	sadd.s32 s25, s8;
	s0 =	sadd.s32 s10, s0;
	s10 =	ssub.s32 s22, s23  }
0x10: {  	s9 =	sadd.s32 s25, s9;
	s23 =	sadd.s32 s25, s6;
	s24 =	sadd.s32 $0xE00, s0  }
0x11: {  	s13 =	sadd.s32 $0x10E00, s0;
	s26 =	sadd.s32 $0x20E00, s0;
	s14 =	sadd.s32 $0x30E00, s0  }
0x12: {  	s15 =	sadd.s32 $0x40E00, s0;
	s9 =	sshrl.u32 s9, $0x3;
	s16 =	sadd.s32 $0x50E00, s0  }
0x13: {  	s0 =	sadd.s32 s25, s2;
	s19 =	smax.u32 s10, $0x1;
	[dreg:$0xb] =	wrdreg s24  }
0x14: {  	s23 =	sshrl.u32 @!p1 s23, $0x3;
	s10 =	simm.s32 $0x1;
	[dreg:$0xc] =	wrdreg s13  }
0x15: {  	[dreg:$0xd] =	wrdreg s26;
	s17 =	sadd.s32 s3, s9;
	s3 =	sadd.s32 s25, s4  }
0x16: {  	s9 =	sadd.s32 s25, s5;
	s24 =	sadd.s32 s25, s7;
	s20 =	sshrl.u32 @!p1 s0, $0x3  }
0x17: {  	s25 =	sshrl.u32 @!p1 s11, $0x3;
	s0 =	simm.s32 $0x50;
	s18 =	sadd.s32 $0x500, s17  }
0x18: {  	s21 =	sshrl.u32 @!p1 s3, $0x3;
	s22 =	sshrl.u32 @!p1 s9, $0x3;
	s24 =	sshrl.u32 @!p1 s24, $0x3  }
0x19: {  	s26 =	sadd.s32 $0xA00, s17;
	s28 =	sadd.s32 $0xF00, s17;
	s29 =	sadd.s32 $0x1400, s17  }
0x1a: {  	s30 =	sadd.s32 $0x1900, s17;
	s3 =	simm.s32 $0x2;
	s9 =	simm.s32 $0x0  }
.LBB2_1:
0x1b: {  	s11 =	sshrl.u32 @!p0 s2, $0x3;
	s12 =	simm.s32 @!p0 $0x1C02  }
0x1c: {  	[spmem:s11], [sflag:s12] =	dma.local @!p0 [hbm:s1], $0x500  }
0x1d: {  	s11 =	simm.s32 @!p0 $0x2  }
0x1e: {  	_ =	swait.ge @!p0 [sflag:s11], $0x500  }
0x1f: {  	[sflag:s11] =	ssyncset.done @!p0 $0x0  }
0x20: {  	s13 =	sshrl.u32 @!p0 s4, $0x3;
	[sflag:s11] =	ssyncadd.s32 @!p0 $0xFFFFFB00  }
0x21: {  	[spmem:s13], [sflag:s12] =	dma.local @!p0 [hbm:s1], $0x500  }
0x22: {  	_ =	swait.ge @!p0 [sflag:s11], $0x500  }
0x23: {  	[sflag:s11] =	ssyncset.done @!p0 $0x0  }
0x24: {  	s13 =	sshrl.u32 @!p0 s5, $0x3;
	[sflag:s11] =	ssyncadd.s32 @!p0 $0xFFFFFB00  }
0x25: {  	[spmem:s13], [sflag:s12] =	dma.local @!p0 [hbm:s1], $0x500  }
0x26: {  	_ =	swait.ge @!p0 [sflag:s11], $0x500  }
0x27: {  	[sflag:s11] =	ssyncset.done @!p0 $0x0  }
0x28: {  	s13 =	sshrl.u32 @!p0 s6, $0x3;
	[sflag:s11] =	ssyncadd.s32 @!p0 $0xFFFFFB00  }
0x29: {  	[spmem:s13], [sflag:s12] =	dma.local @!p0 [hbm:s1], $0x500  }
0x2a: {  	_ =	swait.ge @!p0 [sflag:s11], $0x500  }
0x2b: {  	[sflag:s11] =	ssyncset.done @!p0 $0x0  }
0x2c: {  	s13 =	sshrl.u32 @!p0 s7, $0x3;
	[sflag:s11] =	ssyncadd.s32 @!p0 $0xFFFFFB00  }
0x2d: {  	[spmem:s13], [sflag:s12] =	dma.local @!p0 [hbm:s1], $0x500  }
0x2e: {  	_ =	swait.ge @!p0 [sflag:s11], $0x500  }
0x2f: {  	[sflag:s11] =	ssyncset.done @!p0 $0x0  }
0x30: {  	s13 =	sshrl.u32 @!p0 s8, $0x3;
	[sflag:s11] =	ssyncadd.s32 @!p0 $0xFFFFFB00  }
0x31: {  	[spmem:s13], [sflag:s12] =	dma.local @!p0 [hbm:s1], $0x500  }
0x32: {  	_ =	swait.ge @!p0 [sflag:s11], $0x500  }
0x33: {  	[sflag:s11] =	ssyncset.done @!p0 $0x0  }
0x34: {  	[sflag:s11] =	ssyncadd.s32 @!p0 $0xFFFFFB00  }
0x35: {  	s12 =	simm.s32 $0x0;
	s11 =	rddreg [dreg:$0x1]  }
0x36: {  	[tilespmem:s31], [sflag:$0x2] =	stream.linear.gather [hbm4b:s11+s12], $0x80, $0x38;
	[tilespmem:$0x4F80] =	vst v63  }
0x37: {  	_ =	swait.ge [sflag:s3], $0x80  }
0x38: {  	[sflag:s3] =	ssyncset.done $0x0  }
0x39: {  	[sflag:s3] =	ssyncadd.s32 $0xFFFFFF80  }
0x3a: {  	[bflag:$0x0] =	sbarrier.arrive $0xFFFF  }
0x3b: {  	s13 =	rddreg [dreg:$0xb]  }
0x3c: {  	[tilespmem:s12], [sflag:$0x2] =	stream.linear.gather [hbm4b:s13+s12], $0x3E80, $0x38;
	[tilespmem:$0x4F80] =	vst v63  }
0x3d: {  	_ =	swait.ge [sflag:s3], $0x3E80  }
0x3e: {  	[sflag:s3] =	ssyncset.done $0x0  }
0x3f: {  	s11 =	simm.s32 $0x0;
	[sflag:s3] =	ssyncadd.s32 $0xFFFFC180  }
.LBB2_2:
0x40: {  	p2 =	sne.s32 s11, $0xF800  }
.Ltmp0:
0x41: {  	_ = 	snop;
	(pc) =	sbr.rel @p2 .LBB2_2-.Ltmp0, $3  }
0x42: {  	_ =	sdelay $0x1  }
0x43: {  	s12 =	sshra.s32 s11, $0x2;
	s11 =	sadd.s32 $0x200, s11  }
0x44: {  	[spmem:s2] =	stream.indirect.scatter.add.f32 [tilespmem:s31], [sflag:$0x1], $0x1, s12, s0, $0xb8;
	[tilespmem:$0x4F80] =	vst v63  }
0x45: {  	_ =	swait.ge [sflag:s10], $0x50  }
0x46: {  	s11 =	simm.s32 $0x7C;
	[sflag:s10] =	ssyncset.done $0x0  }
.LBB2_4:
0x47: {  	p2 =	sne.s32 s11, $0x1;
	s11 =	sadd.s32 $0xFFFFFFFF, s11;
	[sflag:s10] =	ssyncadd.s32 $0xFFFFFFB0  }
.Ltmp1:
0x48: {  	(pc) =	sbr.rel @p2 .LBB2_4-.Ltmp1, $3  }
0x49: {  	_ =	sdelay $0x1  }
0x4a: {  	_ =	swait.ge [sflag:s10], $0x50  }
0x4b: {  	[sflag:s10] =	ssyncset.done $0x0  }
0x4c: {  	[sflag:s10] =	ssyncadd.s32 $0xFFFFFFB0;
	s11 =	simm.s32 $0x0;
	s12 =	rddreg [dreg:$0xc]  }
0x4d: {  	[tilespmem:s11], [sflag:$0x2] =	stream.linear.gather [hbm4b:s12+s11], $0x3E80, $0x38;
	[tilespmem:$0x4F80] =	vst v63  }
0x4e: {  	_ =	swait.ge [sflag:s3], $0x3E80  }
0x4f: {  	[sflag:s3] =	ssyncset.done $0x0  }
0x50: {  	[sflag:s3] =	ssyncadd.s32 $0xFFFFC180  }
.LBB2_6:
0x51: {  	p2 =	sne.s32 s11, $0xF800  }
.Ltmp2:
0x52: {  	_ = 	snop;
	(pc) =	sbr.rel @p2 .LBB2_6-.Ltmp2, $3  }
0x53: {  	_ =	sdelay $0x1  }
0x54: {  	s12 =	sshra.s32 s11, $0x2;
	s11 =	sadd.s32 $0x200, s11  }
0x55: {  	[spmem:s4] =	stream.indirect.scatter.add.f32 [tilespmem:s31], [sflag:$0x1], $0x1, s12, s0, $0xb8;
	[tilespmem:$0x4F80] =	vst v63  }
0x56: {  	_ =	swait.ge [sflag:s10], $0x50  }
0x57: {  	s11 =	simm.s32 $0x7C;
	[sflag:s10] =	ssyncset.done $0x0  }
.LBB2_8:
0x58: {  	p2 =	sne.s32 s11, $0x1;
	s11 =	sadd.s32 $0xFFFFFFFF, s11;
	[sflag:s10] =	ssyncadd.s32 $0xFFFFFFB0  }
.Ltmp3:
0x59: {  	(pc) =	sbr.rel @p2 .LBB2_8-.Ltmp3, $3  }
0x5a: {  	_ =	sdelay $0x1  }
0x5b: {  	_ =	swait.ge [sflag:s10], $0x50  }
0x5c: {  	[sflag:s10] =	ssyncset.done $0x0  }
0x5d: {  	[sflag:s10] =	ssyncadd.s32 $0xFFFFFFB0;
	s11 =	simm.s32 $0x0;
	s12 =	rddreg [dreg:$0xd]  }
0x5e: {  	[tilespmem:s11], [sflag:$0x2] =	stream.linear.gather [hbm4b:s12+s11], $0x3E80, $0x38;
	[tilespmem:$0x4F80] =	vst v63  }
0x5f: {  	_ =	swait.ge [sflag:s3], $0x3E80  }
0x60: {  	[sflag:s3] =	ssyncset.done $0x0  }
0x61: {  	[sflag:s3] =	ssyncadd.s32 $0xFFFFC180  }
.LBB2_10:
0x62: {  	p2 =	sne.s32 s11, $0xF800  }
.Ltmp4:
0x63: {  	_ = 	snop;
	(pc) =	sbr.rel @p2 .LBB2_10-.Ltmp4, $3  }
0x64: {  	_ =	sdelay $0x1  }
0x65: {  	s12 =	sshra.s32 s11, $0x2;
	s11 =	sadd.s32 $0x200, s11  }
0x66: {  	[spmem:s5] =	stream.indirect.scatter.add.f32 [tilespmem:s31], [sflag:$0x1], $0x1, s12, s0, $0xb8;
	[tilespmem:$0x4F80] =	vst v63  }
0x67: {  	_ =	swait.ge [sflag:s10], $0x50  }
0x68: {  	s11 =	simm.s32 $0x7C;
	[sflag:s10] =	ssyncset.done $0x0  }
.LBB2_12:
0x69: {  	p2 =	sne.s32 s11, $0x1;
	s11 =	sadd.s32 $0xFFFFFFFF, s11;
	[sflag:s10] =	ssyncadd.s32 $0xFFFFFFB0  }
.Ltmp5:
0x6a: {  	(pc) =	sbr.rel @p2 .LBB2_12-.Ltmp5, $3  }
0x6b: {  	_ =	sdelay $0x1  }
0x6c: {  	_ =	swait.ge [sflag:s10], $0x50  }
0x6d: {  	[sflag:s10] =	ssyncset.done $0x0  }
0x6e: {  	[sflag:s10] =	ssyncadd.s32 $0xFFFFFFB0;
	s11 =	simm.s32 $0x0  }
0x6f: {  	[tilespmem:s11], [sflag:$0x2] =	stream.linear.gather [hbm4b:s14+s11], $0x3E80, $0x38;
	[tilespmem:$0x4F80] =	vst v63  }
0x70: {  	_ =	swait.ge [sflag:s3], $0x3E80  }
0x71: {  	[sflag:s3] =	ssyncset.done $0x0  }
0x72: {  	[sflag:s3] =	ssyncadd.s32 $0xFFFFC180  }
.LBB2_14:
0x73: {  	p2 =	sne.s32 s11, $0xF800  }
.Ltmp6:
0x74: {  	_ = 	snop;
	(pc) =	sbr.rel @p2 .LBB2_14-.Ltmp6, $3  }
0x75: {  	_ =	sdelay $0x1  }
0x76: {  	s12 =	sshra.s32 s11, $0x2;
	s11 =	sadd.s32 $0x200, s11  }
0x77: {  	[spmem:s6] =	stream.indirect.scatter.add.f32 [tilespmem:s31], [sflag:$0x1], $0x1, s12, s0, $0xb8;
	[tilespmem:$0x4F80] =	vst v63  }
0x78: {  	_ =	swait.ge [sflag:s10], $0x50  }
0x79: {  	s11 =	simm.s32 $0x7C;
	[sflag:s10] =	ssyncset.done $0x0  }
.LBB2_16:
0x7a: {  	p2 =	sne.s32 s11, $0x1;
	s11 =	sadd.s32 $0xFFFFFFFF, s11;
	[sflag:s10] =	ssyncadd.s32 $0xFFFFFFB0  }
.Ltmp7:
0x7b: {  	(pc) =	sbr.rel @p2 .LBB2_16-.Ltmp7, $3  }
0x7c: {  	_ =	sdelay $0x1  }
0x7d: {  	_ =	swait.ge [sflag:s10], $0x50  }
0x7e: {  	[sflag:s10] =	ssyncset.done $0x0  }
0x7f: {  	[sflag:s10] =	ssyncadd.s32 $0xFFFFFFB0;
	s11 =	simm.s32 $0x0  }
0x80: {  	[tilespmem:s11], [sflag:$0x2] =	stream.linear.gather [hbm4b:s15+s11], $0x3E80, $0x38;
	[tilespmem:$0x4F80] =	vst v63  }
0x81: {  	_ =	swait.ge [sflag:s3], $0x3E80  }
0x82: {  	[sflag:s3] =	ssyncset.done $0x0  }
0x83: {  	[sflag:s3] =	ssyncadd.s32 $0xFFFFC180  }
.LBB2_18:
0x84: {  	p2 =	sne.s32 s11, $0xF800  }
.Ltmp8:
0x85: {  	_ = 	snop;
	(pc) =	sbr.rel @p2 .LBB2_18-.Ltmp8, $3  }
0x86: {  	_ =	sdelay $0x1  }
0x87: {  	s12 =	sshra.s32 s11, $0x2;
	s11 =	sadd.s32 $0x200, s11  }
0x88: {  	[spmem:s7] =	stream.indirect.scatter.add.f32 [tilespmem:s31], [sflag:$0x1], $0x1, s12, s0, $0xb8;
	[tilespmem:$0x4F80] =	vst v63  }
0x89: {  	_ =	swait.ge [sflag:s10], $0x50  }
0x8a: {  	s11 =	simm.s32 $0x7C;
	[sflag:s10] =	ssyncset.done $0x0  }
.LBB2_20:
0x8b: {  	p2 =	sne.s32 s11, $0x1;
	s11 =	sadd.s32 $0xFFFFFFFF, s11;
	[sflag:s10] =	ssyncadd.s32 $0xFFFFFFB0  }
.Ltmp9:
0x8c: {  	(pc) =	sbr.rel @p2 .LBB2_20-.Ltmp9, $3  }
0x8d: {  	_ =	sdelay $0x1  }
0x8e: {  	_ =	swait.ge [sflag:s10], $0x50  }
0x8f: {  	[sflag:s10] =	ssyncset.done $0x0  }
0x90: {  	[sflag:s10] =	ssyncadd.s32 $0xFFFFFFB0;
	s11 =	simm.s32 $0x0  }
0x91: {  	[tilespmem:s11], [sflag:$0x2] =	stream.linear.gather [hbm4b:s16+s11], $0x3E80, $0x38;
	[tilespmem:$0x4F80] =	vst v63  }
0x92: {  	_ =	swait.ge [sflag:s3], $0x3E80  }
0x93: {  	[sflag:s3] =	ssyncset.done $0x0  }
0x94: {  	[sflag:s3] =	ssyncadd.s32 $0xFFFFC180  }
.LBB2_22:
0x95: {  	p2 =	sne.s32 s11, $0xF800  }
.Ltmp10:
0x96: {  	_ = 	snop;
	(pc) =	sbr.rel @p2 .LBB2_22-.Ltmp10, $3  }
0x97: {  	_ =	sdelay $0x1  }
0x98: {  	s12 =	sshra.s32 s11, $0x2;
	s11 =	sadd.s32 $0x200, s11  }
0x99: {  	[spmem:s8] =	stream.indirect.scatter.add.f32 [tilespmem:s31], [sflag:$0x1], $0x1, s12, s0, $0xb8;
	[tilespmem:$0x4F80] =	vst v63  }
0x9a: {  	_ =	swait.ge [sflag:s10], $0x50  }
0x9b: {  	s11 =	simm.s32 $0x7C;
	[sflag:s10] =	ssyncset.done $0x0  }
.LBB2_24:
0x9c: {  	p2 =	sne.s32 s11, $0x1;
	s11 =	sadd.s32 $0xFFFFFFFF, s11;
	[sflag:s10] =	ssyncadd.s32 $0xFFFFFFB0  }
.Ltmp11:
0x9d: {  	(pc) =	sbr.rel @p2 .LBB2_24-.Ltmp11, $3  }
0x9e: {  	_ =	sdelay $0x1  }
0x9f: {  	_ =	swait.ge [sflag:s10], $0x50  }
0xa0: {  	[sflag:s10] =	ssyncset.done $0x0  }
0xa1: {  	s11 =	stileid.u32  }
0xa2: {  	[sflag:s10] =	ssyncadd.s32 $0xFFFFFFB0;
	s11 =	sshll.u32 @!p1 s11, $0x6  }
0xa3: {  	s12 =	simm.s32 @!p1 $0x2;
	[bflag:$0x0] =	sbarrier.arrive $0xFFFF;
	s11 =	sor.u32 @!p1 $0x1C02, s11  }
0xa4: {  	[hbm:s17], [sflag:s11] =	dma.local @!p1 [spmem:s20], $0x80  }
0xa5: {  	_ =	swait.ge @!p1 [sflag:s12], $0x80  }
0xa6: {  	[sflag:s12] =	ssyncset.done @!p1 $0x0  }
0xa7: {  	[sflag:s12] =	ssyncadd.s32 @!p1 $0xFFFFFF80  }
0xa8: {  	[hbm:s18], [sflag:s11] =	dma.local @!p1 [spmem:s21], $0x80  }
0xa9: {  	_ =	swait.ge @!p1 [sflag:s12], $0x80  }
0xaa: {  	[sflag:s12] =	ssyncset.done @!p1 $0x0  }
0xab: {  	[sflag:s12] =	ssyncadd.s32 @!p1 $0xFFFFFF80  }
0xac: {  	[hbm:s26], [sflag:s11] =	dma.local @!p1 [spmem:s22], $0x80  }
0xad: {  	_ =	swait.ge @!p1 [sflag:s12], $0x80  }
0xae: {  	[sflag:s12] =	ssyncset.done @!p1 $0x0  }
0xaf: {  	[sflag:s12] =	ssyncadd.s32 @!p1 $0xFFFFFF80  }
0xb0: {  	[hbm:s28], [sflag:s11] =	dma.local @!p1 [spmem:s23], $0x80  }
0xb1: {  	_ =	swait.ge @!p1 [sflag:s12], $0x80  }
0xb2: {  	[sflag:s12] =	ssyncset.done @!p1 $0x0  }
0xb3: {  	[sflag:s12] =	ssyncadd.s32 @!p1 $0xFFFFFF80  }
0xb4: {  	[hbm:s29], [sflag:s11] =	dma.local @!p1 [spmem:s24], $0x80  }
0xb5: {  	s9 =	sadd.s32 $0x1, s9;
	_ =	swait.ge @!p1 [sflag:s12], $0x80  }
0xb6: {  	p2 =	sne.s32 s9, s19;
	[sflag:s12] =	ssyncset.done @!p1 $0x0  }
.Ltmp12:
0xb7: {  	[sflag:s12] =	ssyncadd.s32 @!p1 $0xFFFFFF80;
	(pc) =	sbr.rel @p2 .LBB2_1-.Ltmp12, $4  }
0xb8: {  	[hbm:s30], [sflag:s11] =	dma.local @!p1 [spmem:s25], $0x80  }
0xb9: {  	_ =	swait.ge @!p1 [sflag:s12], $0x80  }
0xba: {  	[sflag:s12] =	ssyncset.done @!p1 $0x0  }
0xbb: {  	[sflag:s12] =	ssyncadd.s32 @!p1 $0xFFFFFF80  }
0xbc: {  	_ =	sfence.sel $0x180000  }
0xbd: {  	[bflag:$0x0] =	sbarrier.arrive $0xFFFF  }
0xbe: {  	_ =	strace $0x90000047  }
0xbf: {  	[bflag:$0x2] =	sbarrier.arrive $0xFFFF  }
0xc0: {  	s0 =	rddreg [dreg:$0xa]  }
0xc1: {  	s0 =	sadd.s32 @!p0 $0x100000, s0  }
0xc2: {  	[sflag:s0] =	ssyncadd.tile.s32 @!p0 $0x1;
	_ =	shalt  }
.Lfunc_end2:
_tile_overlayer_lowered:
.L_overlay_start_2:
0xc3: {  	(tag) =	ssettag $0x2  }
0xc4: {  	s0 =	rddreg [dreg:$0x0];
	s2 =	stileid.u32  }
0xc5: {  	s1 =	rddreg [dreg:$0x1];
	p0 =	sne.s32 s2, $0x0  }
0xc6: {  	s3 =	rddreg [dreg:$0x2];
	[bflag:$0x3] =	sbarrier.arrive $0xFFFF;
	s2 =	simm.s32 @!p0 $0x1C02  }
0xc7: {  	[timem:s3], [sflag:s2] =	dma.local @!p0 [hbm:s0], s1  }
0xc8: {  	s0 =	simm.s32 @!p0 $0x2  }
0xc9: {  	_ =	swait.ge @!p0 [sflag:s0], s1  }
0xca: {  	s1 =	ssub.s32 @!p0 $0x0, s1;
	[sflag:s0] =	ssyncset.done @!p0 $0x0  }
0xcb: {  	[sflag:s0] =	ssyncadd.s32 @!p0 s1  }
0xcc: {  	[bflag:$0x3] =	sbarrier.arrive $0xFFFF  }
0xcd: {  	_ =	shalt  }

</sc_bundles>
